<compile_context>
chip_gen: v7x
topology: tpu7x:2x2x1
jax: 0.10.2.dev20260603
libtpu: 0.0.44.dev20260713+nightly
codegen_flags: <defaults>
</compile_context>

<pallas_src>
import functools

import jax
import jax.numpy as jnp
from jax import lax
from jax.experimental import pallas as pl
from jax.experimental.pallas import tpu as pltpu
from jax.experimental.pallas import tpu_sc as plsc

_N = 10000
_M = 32
_AF = 128
_NF = 16
_EDGES = _N * _M
_OUT = 2 * _AF
_EPS = 1e-5

_NC = 2
_NS = 16
_NW = _NC * _NS
_CH = 80
_NBUF = 5


@functools.cache
def _make_sc_gather(n_edges):
    per_w = n_edges // _NW
    ngrp = per_w // (_CH * _NBUF)
    assert per_w % (_CH * _NBUF) == 0
    mesh = plsc.VectorSubcoreMesh(core_axis_name="c", subcore_axis_name="s")

    @functools.partial(
        pl.kernel,
        out_type=jax.ShapeDtypeStruct((n_edges, _AF), jnp.float32),
        mesh=mesh,
        scratch_types=[
            pltpu.VMEM((per_w,), jnp.int32),
            pltpu.VMEM((2, _NBUF, _CH, _AF), jnp.float32),
            pltpu.SemaphoreType.DMA,
            pltpu.SemaphoreType.DMA,
        ],
    )
    def _sc_gather(table_hbm, idx_hbm, out_hbm, idx_v, rows_v, gsem, wsem):
        wid = lax.axis_index("s") * _NC + lax.axis_index("c")
        base = wid * per_w
        pltpu.sync_copy(idx_hbm.at[pl.ds(base, per_w)], idx_v)

        def fire_gathers(g, bank):
            for b in range(_NBUF):
                off = (g * _NBUF + b) * _CH
                pltpu.async_copy(
                    table_hbm.at[idx_v.at[pl.ds(off, _CH)]],
                    rows_v.at[bank, b], gsem)

        def drain_gathers(g, bank):
            for b in range(_NBUF):
                off = (g * _NBUF + b) * _CH
                pltpu.make_async_copy(
                    table_hbm.at[idx_v.at[pl.ds(off, _CH)]],
                    rows_v.at[bank, b], gsem).wait()

        def fire_writes(g, bank):
            for b in range(_NBUF):
                off = base + (g * _NBUF + b) * _CH
                pltpu.async_copy(
                    rows_v.at[bank, b], out_hbm.at[pl.ds(off, _CH)], wsem)

        def drain_writes(g, bank):
            for b in range(_NBUF):
                off = base + (g * _NBUF + b) * _CH
                pltpu.make_async_copy(
                    rows_v.at[bank, b], out_hbm.at[pl.ds(off, _CH)],
                    wsem).wait()

        fire_gathers(0, 0)

        def body(g, _):
            bank = lax.rem(g, 2)
            other = 1 - bank
            drain_gathers(g, bank)

            @pl.when(g > 0)
            def _():
                drain_writes(g - 1, other)

            @pl.when(g + 1 < ngrp)
            def _():
                fire_gathers(g + 1, other)

            fire_writes(g, bank)
            return 0

        lax.fori_loop(0, ngrp, body, 0)
        drain_writes(ngrp - 1, lax.rem(ngrp - 1, 2))

    return _sc_gather


_TILE = 200
_ET = _TILE * _M
_TILE_F = 1000


def _softplus(x):
    return jnp.log(1.0 + jnp.exp(x))


def _sigmoid(x):
    return 0.5 * jnp.tanh(0.5 * x) + 0.5


def _gated_tile(a, g, e, wst, wnt, wet, b_row):
    s_tile = jnp.dot(a, wst, preferred_element_type=jnp.float32) + b_row
    q = jnp.dot(g, wnt, preferred_element_type=jnp.float32)
    r = jnp.dot(e, wet, preferred_element_type=jnp.float32)
    gated = (q + r).reshape(_TILE, _M, _OUT) + s_tile[:, None, :]
    return gated.reshape(_ET, _OUT)


def _tc_stats(atom, gathered, nbr2, wst, wnt, wet, prm):
    n_atoms = atom.shape[0]
    nt = n_atoms // _TILE

    def body(atom_ref, g_ref, e_ref, wst_ref, wnt_ref, wet_ref,
             prm_ref, st1_ref, acc_ref):
        j = pl.program_id(0)
        gated = _gated_tile(atom_ref[...], g_ref[...], e_ref[...],
                            wst_ref[...], wnt_ref[...], wet_ref[...],
                            prm_ref[0:1, :])

        @pl.when(j == 0)
        def _():
            acc_ref[...] = jnp.zeros_like(acc_ref)

        acc_ref[0:1, :] += jnp.sum(gated, axis=0, keepdims=True)
        acc_ref[1:2, :] += jnp.sum(gated * gated, axis=0, keepdims=True)

        @pl.when(j == nt - 1)
        def _():
            st1_ref[...] = acc_ref[...]

    return pl.pallas_call(
        body,
        grid=(nt,),
        in_specs=[
            pl.BlockSpec((_TILE, _AF), lambda j: (j, 0)),
            pl.BlockSpec((_ET, _AF), lambda j: (j, 0)),
            pl.BlockSpec((_ET, _NF), lambda j: (j, 0)),
            pl.BlockSpec((_AF, _OUT), lambda j: (0, 0)),
            pl.BlockSpec((_AF, _OUT), lambda j: (0, 0)),
            pl.BlockSpec((_NF, _OUT), lambda j: (0, 0)),
            pl.BlockSpec((8, _OUT), lambda j: (0, 0)),
        ],
        out_specs=pl.BlockSpec((8, _OUT), lambda j: (0, 0)),
        out_shape=jax.ShapeDtypeStruct((8, _OUT), jnp.float32),
        scratch_shapes=[pltpu.VMEM((8, _OUT), jnp.float32)],
    )(atom, gathered, nbr2, wst, wnt, wet, prm)


def _tc_main(atom, gathered, nbr2, wst, wnt, wet, prm, st1):
    n_atoms = atom.shape[0]
    nt = n_atoms // _TILE

    def body(atom_ref, g_ref, e_ref, wst_ref, wnt_ref, wet_ref,
             prm_ref, st1_ref, ns_ref, st2_ref, acc2_ref):
        j = pl.program_id(0)
        inv_e = 1.0 / _EDGES
        mean1 = st1_ref[0:1, :] * inv_e
        var1 = st1_ref[1:2, :] * inv_e - mean1 * mean1
        scale = prm_ref[1:2, :] * lax.rsqrt(var1 + _EPS)
        shift = prm_ref[2:3, :] - mean1 * scale
        x = _gated_tile(atom_ref[...], g_ref[...], e_ref[...],
                        wst_ref[...] * scale, wnt_ref[...] * scale,
                        wet_ref[...] * scale,
                        prm_ref[0:1, :] * scale + shift)

        filt = _sigmoid(x[:, :_AF])
        core = _softplus(x[:, _AF:])
        ns = jnp.sum((filt * core).reshape(_TILE, _M, _AF), axis=1)
        ns_ref[...] = ns

        @pl.when(j == 0)
        def _():
            acc2_ref[...] = jnp.zeros_like(acc2_ref)

        acc2_ref[0:1, :] += jnp.sum(ns, axis=0, keepdims=True)
        acc2_ref[1:2, :] += jnp.sum(ns * ns, axis=0, keepdims=True)

        @pl.when(j == nt - 1)
        def _():
            st2_ref[...] = acc2_ref[...]

    return pl.pallas_call(
        body,
        grid=(nt,),
        in_specs=[
            pl.BlockSpec((_TILE, _AF), lambda j: (j, 0)),
            pl.BlockSpec((_ET, _AF), lambda j: (j, 0)),
            pl.BlockSpec((_ET, _NF), lambda j: (j, 0)),
            pl.BlockSpec((_AF, _OUT), lambda j: (0, 0)),
            pl.BlockSpec((_AF, _OUT), lambda j: (0, 0)),
            pl.BlockSpec((_NF, _OUT), lambda j: (0, 0)),
            pl.BlockSpec((8, _OUT), lambda j: (0, 0)),
            pl.BlockSpec((8, _OUT), lambda j: (0, 0)),
        ],
        out_specs=[
            pl.BlockSpec((_TILE, _AF), lambda j: (j, 0)),
            pl.BlockSpec((8, _AF), lambda j: (0, 0)),
        ],
        out_shape=[
            jax.ShapeDtypeStruct((n_atoms, _AF), jnp.float32),
            jax.ShapeDtypeStruct((8, _AF), jnp.float32),
        ],
        scratch_shapes=[pltpu.VMEM((8, _AF), jnp.float32)],
    )(atom, gathered, nbr2, wst, wnt, wet, prm, st1)


def _tc_final(atom, ns, st2, prm2):
    def body(atom_ref, ns_ref, st2_ref, prm2_ref, out_ref):
        inv_n = 1.0 / _N
        mean2 = st2_ref[0:1, :] * inv_n
        var2 = st2_ref[1:2, :] * inv_n - mean2 * mean2
        scale = prm2_ref[0:1, :] * lax.rsqrt(var2 + _EPS)
        shift = prm2_ref[1:2, :] - mean2 * scale
        out_ref[...] = _softplus(atom_ref[...] + ns_ref[...] * scale + shift)

    return pl.pallas_call(
        body,
        grid=(_N // _TILE_F,),
        in_specs=[
            pl.BlockSpec((_TILE_F, _AF), lambda j: (j, 0)),
            pl.BlockSpec((_TILE_F, _AF), lambda j: (j, 0)),
            pl.BlockSpec((8, _AF), lambda j: (0, 0)),
            pl.BlockSpec((8, _AF), lambda j: (0, 0)),
        ],
        out_specs=pl.BlockSpec((_TILE_F, _AF), lambda j: (j, 0)),
        out_shape=jax.ShapeDtypeStruct((_N, _AF), jnp.float32),
    )(atom, ns, st2, prm2)


def kernel(atom_in_fea, nbr_fea, nbr_fea_idx, W_fc, b_fc,
           bn1_gamma, bn1_beta, bn2_gamma, bn2_beta):
    idx_flat = nbr_fea_idx.reshape(-1).astype(jnp.int32)
    gathered = _make_sc_gather(_EDGES)(atom_in_fea, idx_flat)

    nbr2 = nbr_fea.reshape(_EDGES, _NF)
    wst = W_fc[:, :_AF].T
    wnt = W_fc[:, _AF:2 * _AF].T
    wet = W_fc[:, 2 * _AF:].T
    prm = jnp.zeros((8, _OUT), jnp.float32)
    prm = prm.at[0].set(b_fc).at[1].set(bn1_gamma).at[2].set(bn1_beta)
    prm2 = jnp.zeros((8, _AF), jnp.float32)
    prm2 = prm2.at[0].set(bn2_gamma).at[1].set(bn2_beta)

    st1 = _tc_stats(atom_in_fea, gathered, nbr2, wst, wnt, wet, prm)
    ns, st2 = _tc_main(atom_in_fea, gathered, nbr2, wst, wnt, wet, prm, st1)
    return _tc_final(atom_in_fea, ns, st2, prm2)

# --- scband reference (transcript-rebuilt; emitter-appended) ---
"""Pipeline reference for scband-conv-layer-27341761806836 (READ-ONLY COPY).

The authoritative reference and input builder live on the scoring server;
editing this copy changes nothing except your own understanding.
"""

import jax, jax.numpy as jnp
import numpy as np

ATOM_F = 128
NBR_F = 16
N = 10000
M = 32
EPS = 1e-5

def setup_inputs(seed: int = 0) -> dict:
    key = jax.random.key(seed)
    k1, k2, k3, k4, k5 = jax.random.split(key, 5)
    atom_in_fea = jax.random.normal(k1, (N, ATOM_F), dtype=jnp.float32)
    nbr_fea = jax.random.normal(k2, (N, M, NBR_F), dtype=jnp.float32)
    nbr_fea_idx = jax.random.randint(k3, (N, M), 0, N, dtype=jnp.int64 if jax.config.read('jax_enable_x64') else jnp.int32)
    in_dim = 2 * ATOM_F + NBR_F
    out_dim = 2 * ATOM_F
    W_fc = jax.random.normal(k4, (out_dim, in_dim), dtype=jnp.float32) * (1.0 / np.sqrt(in_dim))
    b_fc = jax.random.normal(k5, (out_dim,), dtype=jnp.float32) * 0.01
    bn1_gamma = jnp.ones((out_dim,), dtype=jnp.float32)
    bn1_beta = jnp.zeros((out_dim,), dtype=jnp.float32)
    bn2_gamma = jnp.ones((ATOM_F,), dtype=jnp.float32)
    bn2_beta = jnp.zeros((ATOM_F,), dtype=jnp.float32)
    return {
        'atom_in_fea': atom_in_fea,
        'nbr_fea': nbr_fea,
        'nbr_fea_idx': nbr_fea_idx,
        'W_fc': W_fc,
        'b_fc': b_fc,
        'bn1_gamma': bn1_gamma,
        'bn1_beta': bn1_beta,
        'bn2_gamma': bn2_gamma,
        'bn2_beta': bn2_beta,
    }

def _batch_norm(x, gamma, beta):
    mean = jnp.mean(x, axis=0)
    var = jnp.var(x, axis=0)  # biased, matches torch BN training normalization
    return (x - mean) * jax.lax.rsqrt(var + EPS) * gamma + beta

def reference(atom_in_fea, nbr_fea, nbr_fea_idx, W_fc, b_fc, bn1_gamma, bn1_beta, bn2_gamma, bn2_beta):
    n, m = nbr_fea_idx.shape
    # gather neighbor atom features (SparseCore gather)
    atom_nbr_fea = jnp.take(atom_in_fea, nbr_fea_idx, axis=0)  # (N, M, F)
    self_fea = jnp.broadcast_to(atom_in_fea[:, None, :], (n, m, ATOM_F))
    total_nbr_fea = jnp.concatenate([self_fea, atom_nbr_fea, nbr_fea], axis=2)
    total_gated_fea = jnp.dot(total_nbr_fea, W_fc.T) + b_fc  # (N, M, 2F)
    flat = total_gated_fea.reshape(-1, 2 * ATOM_F)
    flat = _batch_norm(flat, bn1_gamma, bn1_beta)
    total_gated_fea = flat.reshape(n, m, 2 * ATOM_F)
    nbr_filter = total_gated_fea[:, :, :ATOM_F]
    nbr_core = total_gated_fea[:, :, ATOM_F:]
    nbr_filter = jax.nn.sigmoid(nbr_filter)
    nbr_core = jax.nn.softplus(nbr_core)
    nbr_sumed = jnp.sum(nbr_filter * nbr_core, axis=1)  # (N, F)
    nbr_sumed = _batch_norm(nbr_sumed, bn2_gamma, bn2_beta)
    out = jax.nn.softplus(atom_in_fea + nbr_sumed)
    return out

if __name__ == "__main__":
    import jax
    _d = setup_inputs()
    print(jax.jit(kernel)(*tuple(_d.values())))

</pallas_src>

<mosaic_0001>
#map = affine_map<(d0, d1) -> (0, 0)>
#map1 = affine_map<(d0, d1) -> (0)>
module attributes {stable_mosaic.version = 14 : i64} {
  func.func @_sc_gather(%arg0: i32, %arg1: i32, %arg2: memref<10000x128xf32, #tpu.memory_space<hbm>>, %arg3: memref<320000xi32, #tpu.memory_space<hbm>>, %arg4: memref<320000x128xf32, #tpu.memory_space<hbm>>, %arg5: memref<10000xi32, #tpu.memory_space<vmem>>, %arg6: memref<2x5x80x128xf32, #tpu.memory_space<vmem>>, %arg7: memref<!tpu.dma_semaphore, #tpu.memory_space<semaphore_mem>>, %arg8: memref<!tpu.dma_semaphore, #tpu.memory_space<semaphore_mem>>) attributes {dimension_semantics = [#tpu.dimension_semantics<core_parallel>, #tpu.dimension_semantics<subcore_parallel>], iteration_bounds = array<i64: 2, 16>, scalar_prefetch = 0 : i64, scratch_operands = 4 : i64, tpu.core_type = #tpu.core_type<sc_vector_subcore>, window_params = [{transform_indices = #map}, {transform_indices = #map1}, {transform_indices = #map}]} {
    %mul3A = arith.constant 2 : i32
    %mul3A_0 = arith.muli %arg1, %mul3A : i32
    %add3A = arith.addi %mul3A_0, %arg0 : i32
    %mul3A_1 = arith.constant 10000 : i32
    %mul3A_2 = arith.muli %add3A, %mul3A_1 : i32
    "tpu.region"() ({
      %run_scoped3A = tpu.sem_alloc : memref<!tpu.dma_semaphore, #tpu.memory_space<semaphore_mem>>
      %dma_start3A_139 = tpu.memref_slice %arg3[%mul3A_2] : memref<320000xi32, #tpu.memory_space<hbm>> -> memref<10000xi32, #tpu.memory_space<hbm>>
      %dma_start3A_140 = tpu.memref_slice %arg3[%mul3A_2] : memref<320000xi32, #tpu.memory_space<hbm>> -> memref<10000xi32, #tpu.memory_space<hbm>>
      tpu.enqueue_dma source(%dma_start3A_140 : memref<10000xi32, #tpu.memory_space<hbm>>) target(%arg5 : memref<10000xi32, #tpu.memory_space<vmem>>) target_semaphore(%run_scoped3A : memref<!tpu.dma_semaphore, #tpu.memory_space<semaphore_mem>>)
      %dma_wait3A_141 = tpu.memref_slice %arg3[%mul3A_2] : memref<320000xi32, #tpu.memory_space<hbm>> -> memref<10000xi32, #tpu.memory_space<hbm>>
      %dma_wait3A_142 = tpu.memref_slice %arg3[%mul3A_2] : memref<320000xi32, #tpu.memory_space<hbm>> -> memref<10000xi32, #tpu.memory_space<hbm>>
      tpu.wait_dma2 semaphore(%run_scoped3A : memref<!tpu.dma_semaphore, #tpu.memory_space<semaphore_mem>>) src(%dma_wait3A_142 : memref<10000xi32, #tpu.memory_space<hbm>>) dst(%arg5 : memref<10000xi32, #tpu.memory_space<vmem>>)
      tpu.yield
    }) : () -> ()
    %dma_start3A = arith.constant 0 : i32
    %dma_start3A_3 = arith.constant 0 : i32
    %dma_start3A_4 = arith.constant 0 : i32
    %dma_start3A_5 = arith.constant 0 : i32
    %dma_start3A_6 = tpu.memref_slice %arg6[%dma_start3A, %dma_start3A_3, %dma_start3A_4, %dma_start3A_5] : memref<2x5x80x128xf32, #tpu.memory_space<vmem>> -> memref<1x1x80x128xf32, #tpu.memory_space<vmem>>
    %dma_start3A_7 = tpu.memref_squeeze %dma_start3A_6 : memref<1x1x80x128xf32, #tpu.memory_space<vmem>> -> memref<80x128xf32, #tpu.memory_space<vmem>>
    %dma_start3A_8 = arith.constant 0 : i32
    %dma_start3A_9 = tpu.memref_slice %arg5[%dma_start3A_8] : memref<10000xi32, #tpu.memory_space<vmem>> -> memref<80xi32, #tpu.memory_space<vmem>>
    %dma_start3A_10 = arith.constant 0 : i32
    %dma_start3A_11 = arith.constant 0 : i32
    %dma_start3A_12 = tpu.memref_slice %arg2[%dma_start3A_10, %dma_start3A_11] : memref<10000x128xf32, #tpu.memory_space<hbm>> -> memref<10000x128xf32, #tpu.memory_space<hbm>>
    tpu.enqueue_indirect_dma source(%dma_start3A_12 : memref<10000x128xf32, #tpu.memory_space<hbm>>) target(%dma_start3A_7 : memref<80x128xf32, #tpu.memory_space<vmem>>) offsets(%dma_start3A_9 : memref<80xi32, #tpu.memory_space<vmem>>) semaphore(%arg7 : memref<!tpu.dma_semaphore, #tpu.memory_space<semaphore_mem>>)
    %dma_start3A_13 = arith.constant 0 : i32
    %dma_start3A_14 = arith.constant 1 : i32
    %dma_start3A_15 = arith.constant 0 : i32
    %dma_start3A_16 = arith.constant 0 : i32
    %dma_start3A_17 = tpu.memref_slice %arg6[%dma_start3A_13, %dma_start3A_14, %dma_start3A_15, %dma_start3A_16] : memref<2x5x80x128xf32, #tpu.memory_space<vmem>> -> memref<1x1x80x128xf32, #tpu.memory_space<vmem>>
    %dma_start3A_18 = tpu.memref_squeeze %dma_start3A_17 : memref<1x1x80x128xf32, #tpu.memory_space<vmem>> -> memref<80x128xf32, #tpu.memory_space<vmem>>
    %dma_start3A_19 = arith.constant 80 : i32
    %dma_start3A_20 = tpu.memref_slice %arg5[%dma_start3A_19] : memref<10000xi32, #tpu.memory_space<vmem>> -> memref<80xi32, #tpu.memory_space<vmem>>
    %dma_start3A_21 = arith.constant 0 : i32
    %dma_start3A_22 = arith.constant 0 : i32
    %dma_start3A_23 = tpu.memref_slice %arg2[%dma_start3A_21, %dma_start3A_22] : memref<10000x128xf32, #tpu.memory_space<hbm>> -> memref<10000x128xf32, #tpu.memory_space<hbm>>
    tpu.enqueue_indirect_dma source(%dma_start3A_23 : memref<10000x128xf32, #tpu.memory_space<hbm>>) target(%dma_start3A_18 : memref<80x128xf32, #tpu.memory_space<vmem>>) offsets(%dma_start3A_20 : memref<80xi32, #tpu.memory_space<vmem>>) semaphore(%arg7 : memref<!tpu.dma_semaphore, #tpu.memory_space<semaphore_mem>>)
    %dma_start3A_24 = arith.constant 0 : i32
    %dma_start3A_25 = arith.constant 2 : i32
    %dma_start3A_26 = arith.constant 0 : i32
    %dma_start3A_27 = arith.constant 0 : i32
    %dma_start3A_28 = tpu.memref_slice %arg6[%dma_start3A_24, %dma_start3A_25, %dma_start3A_26, %dma_start3A_27] : memref<2x5x80x128xf32, #tpu.memory_space<vmem>> -> memref<1x1x80x128xf32, #tpu.memory_space<vmem>>
    %dma_start3A_29 = tpu.memref_squeeze %dma_start3A_28 : memref<1x1x80x128xf32, #tpu.memory_space<vmem>> -> memref<80x128xf32, #tpu.memory_space<vmem>>
    %dma_start3A_30 = arith.constant 160 : i32
    %dma_start3A_31 = tpu.memref_slice %arg5[%dma_start3A_30] : memref<10000xi32, #tpu.memory_space<vmem>> -> memref<80xi32, #tpu.memory_space<vmem>>
    %dma_start3A_32 = arith.constant 0 : i32
    %dma_start3A_33 = arith.constant 0 : i32
    %dma_start3A_34 = tpu.memref_slice %arg2[%dma_start3A_32, %dma_start3A_33] : memref<10000x128xf32, #tpu.memory_space<hbm>> -> memref<10000x128xf32, #tpu.memory_space<hbm>>
    tpu.enqueue_indirect_dma source(%dma_start3A_34 : memref<10000x128xf32, #tpu.memory_space<hbm>>) target(%dma_start3A_29 : memref<80x128xf32, #tpu.memory_space<vmem>>) offsets(%dma_start3A_31 : memref<80xi32, #tpu.memory_space<vmem>>) semaphore(%arg7 : memref<!tpu.dma_semaphore, #tpu.memory_space<semaphore_mem>>)
    %dma_start3A_35 = arith.constant 0 : i32
    %dma_start3A_36 = arith.constant 3 : i32
    %dma_start3A_37 = arith.constant 0 : i32
    %dma_start3A_38 = arith.constant 0 : i32
    %dma_start3A_39 = tpu.memref_slice %arg6[%dma_start3A_35, %dma_start3A_36, %dma_start3A_37, %dma_start3A_38] : memref<2x5x80x128xf32, #tpu.memory_space<vmem>> -> memref<1x1x80x128xf32, #tpu.memory_space<vmem>>
    %dma_start3A_40 = tpu.memref_squeeze %dma_start3A_39 : memref<1x1x80x128xf32, #tpu.memory_space<vmem>> -> memref<80x128xf32, #tpu.memory_space<vmem>>
    %dma_start3A_41 = arith.constant 240 : i32
    %dma_start3A_42 = tpu.memref_slice %arg5[%dma_start3A_41] : memref<10000xi32, #tpu.memory_space<vmem>> -> memref<80xi32, #tpu.memory_space<vmem>>
    %dma_start3A_43 = arith.constant 0 : i32
    %dma_start3A_44 = arith.constant 0 : i32
    %dma_start3A_45 = tpu.memref_slice %arg2[%dma_start3A_43, %dma_start3A_44] : memref<10000x128xf32, #tpu.memory_space<hbm>> -> memref<10000x128xf32, #tpu.memory_space<hbm>>
    tpu.enqueue_indirect_dma source(%dma_start3A_45 : memref<10000x128xf32, #tpu.memory_space<hbm>>) target(%dma_start3A_40 : memref<80x128xf32, #tpu.memory_space<vmem>>) offsets(%dma_start3A_42 : memref<80xi32, #tpu.memory_space<vmem>>) semaphore(%arg7 : memref<!tpu.dma_semaphore, #tpu.memory_space<semaphore_mem>>)
    %dma_start3A_46 = arith.constant 0 : i32
    %dma_start3A_47 = arith.constant 4 : i32
    %dma_start3A_48 = arith.constant 0 : i32
    %dma_start3A_49 = arith.constant 0 : i32
    %dma_start3A_50 = tpu.memref_slice %arg6[%dma_start3A_46, %dma_start3A_47, %dma_start3A_48, %dma_start3A_49] : memref<2x5x80x128xf32, #tpu.memory_space<vmem>> -> memref<1x1x80x128xf32, #tpu.memory_space<vmem>>
    %dma_start3A_51 = tpu.memref_squeeze %dma_start3A_50 : memref<1x1x80x128xf32, #tpu.memory_space<vmem>> -> memref<80x128xf32, #tpu.memory_space<vmem>>
    %dma_start3A_52 = arith.constant 320 : i32
    %dma_start3A_53 = tpu.memref_slice %arg5[%dma_start3A_52] : memref<10000xi32, #tpu.memory_space<vmem>> -> memref<80xi32, #tpu.memory_space<vmem>>
    %dma_start3A_54 = arith.constant 0 : i32
    %dma_start3A_55 = arith.constant 0 : i32
    %dma_start3A_56 = tpu.memref_slice %arg2[%dma_start3A_54, %dma_start3A_55] : memref<10000x128xf32, #tpu.memory_space<hbm>> -> memref<10000x128xf32, #tpu.memory_space<hbm>>
    tpu.enqueue_indirect_dma source(%dma_start3A_56 : memref<10000x128xf32, #tpu.memory_space<hbm>>) target(%dma_start3A_51 : memref<80x128xf32, #tpu.memory_space<vmem>>) offsets(%dma_start3A_53 : memref<80xi32, #tpu.memory_space<vmem>>) semaphore(%arg7 : memref<!tpu.dma_semaphore, #tpu.memory_space<semaphore_mem>>)
    %scan3A = arith.constant 0 : i32
    %scan3A_57 = arith.constant 0 : i32
    %scan3A_58 = arith.constant 25 : i32
    %scan3A_59 = arith.addi %scan3A_57, %scan3A_58 : i32
    %scan3A_60 = arith.constant 1 : i32
    %scan3A_61 = scf.for %scan3A_139 = %scan3A_57 to %scan3A_59 step %scan3A_60 iter_args(%scan3A_140 = %scan3A) -> (i32)  : i32 {
      %rem3A_141 = arith.constant 2 : i32
      %rem3A_142 = arith.remsi %scan3A_139, %rem3A_141 : i32
      %sub3A = arith.constant 1 : i32
      %sub3A_143 = arith.subi %sub3A, %rem3A_142 : i32
      %mul3A_144 = arith.constant 5 : i32
      %mul3A_145 = arith.muli %scan3A_139, %mul3A_144 : i32
      %add3A_146 = arith.constant 0 : i32
      %add3A_147 = arith.addi %mul3A_145, %add3A_146 : i32
      %mul3A_148 = arith.constant 80 : i32
      %mul3A_149 = arith.muli %add3A_147, %mul3A_148 : i32
      %dma_wait3A_150 = arith.constant 0 : i32
      %dma_wait3A_151 = arith.constant 0 : i32
      %dma_wait3A_152 = arith.constant 0 : i32
      %dma_wait3A_153 = tpu.memref_slice %arg6[%rem3A_142, %dma_wait3A_150, %dma_wait3A_151, %dma_wait3A_152] : memref<2x5x80x128xf32, #tpu.memory_space<vmem>> -> memref<1x1x80x128xf32, #tpu.memory_space<vmem>>
      %dma_wait3A_154 = tpu.memref_squeeze %dma_wait3A_153 : memref<1x1x80x128xf32, #tpu.memory_space<vmem>> -> memref<80x128xf32, #tpu.memory_space<vmem>>
      %dma_wait3A_155 = tpu.memref_slice %arg5[%mul3A_149] : memref<10000xi32, #tpu.memory_space<vmem>> -> memref<80xi32, #tpu.memory_space<vmem>>
      %dma_wait3A_156 = arith.constant 0 : i32
      %dma_wait3A_157 = arith.constant 0 : i32
      %dma_wait3A_158 = tpu.memref_slice %arg2[%dma_wait3A_156, %dma_wait3A_157] : memref<10000x128xf32, #tpu.memory_space<hbm>> -> memref<10000x128xf32, #tpu.memory_space<hbm>>
      tpu.wait_indirect_dma semaphore(%arg7 : memref<!tpu.dma_semaphore, #tpu.memory_space<semaphore_mem>>) src(%dma_wait3A_158 : memref<10000x128xf32, #tpu.memory_space<hbm>>) dst(%dma_wait3A_154 : memref<80x128xf32, #tpu.memory_space<vmem>>)
      %mul3A_159 = arith.constant 5 : i32
      %mul3A_160 = arith.muli %scan3A_139, %mul3A_159 : i32
      %add3A_161 = arith.constant 1 : i32
      %add3A_162 = arith.addi %mul3A_160, %add3A_161 : i32
      %mul3A_163 = arith.constant 80 : i32
      %mul3A_164 = arith.muli %add3A_162, %mul3A_163 : i32
      %dma_wait3A_165 = arith.constant 1 : i32
      %dma_wait3A_166 = arith.constant 0 : i32
      %dma_wait3A_167 = arith.constant 0 : i32
      %dma_wait3A_168 = tpu.memref_slice %arg6[%rem3A_142, %dma_wait3A_165, %dma_wait3A_166, %dma_wait3A_167] : memref<2x5x80x128xf32, #tpu.memory_space<vmem>> -> memref<1x1x80x128xf32, #tpu.memory_space<vmem>>
      %dma_wait3A_169 = tpu.memref_squeeze %dma_wait3A_168 : memref<1x1x80x128xf32, #tpu.memory_space<vmem>> -> memref<80x128xf32, #tpu.memory_space<vmem>>
      %dma_wait3A_170 = tpu.memref_slice %arg5[%mul3A_164] : memref<10000xi32, #tpu.memory_space<vmem>> -> memref<80xi32, #tpu.memory_space<vmem>>
      %dma_wait3A_171 = arith.constant 0 : i32
      %dma_wait3A_172 = arith.constant 0 : i32
      %dma_wait3A_173 = tpu.memref_slice %arg2[%dma_wait3A_171, %dma_wait3A_172] : memref<10000x128xf32, #tpu.memory_space<hbm>> -> memref<10000x128xf32, #tpu.memory_space<hbm>>
      tpu.wait_indirect_dma semaphore(%arg7 : memref<!tpu.dma_semaphore, #tpu.memory_space<semaphore_mem>>) src(%dma_wait3A_173 : memref<10000x128xf32, #tpu.memory_space<hbm>>) dst(%dma_wait3A_169 : memref<80x128xf32, #tpu.memory_space<vmem>>)
      %mul3A_174 = arith.constant 5 : i32
      %mul3A_175 = arith.muli %scan3A_139, %mul3A_174 : i32
      %add3A_176 = arith.constant 2 : i32
      %add3A_177 = arith.addi %mul3A_175, %add3A_176 : i32
      %mul3A_178 = arith.constant 80 : i32
      %mul3A_179 = arith.muli %add3A_177, %mul3A_178 : i32
      %dma_wait3A_180 = arith.constant 2 : i32
      %dma_wait3A_181 = arith.constant 0 : i32
      %dma_wait3A_182 = arith.constant 0 : i32
      %dma_wait3A_183 = tpu.memref_slice %arg6[%rem3A_142, %dma_wait3A_180, %dma_wait3A_181, %dma_wait3A_182] : memref<2x5x80x128xf32, #tpu.memory_space<vmem>> -> memref<1x1x80x128xf32, #tpu.memory_space<vmem>>
      %dma_wait3A_184 = tpu.memref_squeeze %dma_wait3A_183 : memref<1x1x80x128xf32, #tpu.memory_space<vmem>> -> memref<80x128xf32, #tpu.memory_space<vmem>>
      %dma_wait3A_185 = tpu.memref_slice %arg5[%mul3A_179] : memref<10000xi32, #tpu.memory_space<vmem>> -> memref<80xi32, #tpu.memory_space<vmem>>
      %dma_wait3A_186 = arith.constant 0 : i32
      %dma_wait3A_187 = arith.constant 0 : i32
      %dma_wait3A_188 = tpu.memref_slice %arg2[%dma_wait3A_186, %dma_wait3A_187] : memref<10000x128xf32, #tpu.memory_space<hbm>> -> memref<10000x128xf32, #tpu.memory_space<hbm>>
      tpu.wait_indirect_dma semaphore(%arg7 : memref<!tpu.dma_semaphore, #tpu.memory_space<semaphore_mem>>) src(%dma_wait3A_188 : memref<10000x128xf32, #tpu.memory_space<hbm>>) dst(%dma_wait3A_184 : memref<80x128xf32, #tpu.memory_space<vmem>>)
      %mul3A_189 = arith.constant 5 : i32
      %mul3A_190 = arith.muli %scan3A_139, %mul3A_189 : i32
      %add3A_191 = arith.constant 3 : i32
      %add3A_192 = arith.addi %mul3A_190, %add3A_191 : i32
      %mul3A_193 = arith.constant 80 : i32
      %mul3A_194 = arith.muli %add3A_192, %mul3A_193 : i32
      %dma_wait3A_195 = arith.constant 3 : i32
      %dma_wait3A_196 = arith.constant 0 : i32
      %dma_wait3A_197 = arith.constant 0 : i32
      %dma_wait3A_198 = tpu.memref_slice %arg6[%rem3A_142, %dma_wait3A_195, %dma_wait3A_196, %dma_wait3A_197] : memref<2x5x80x128xf32, #tpu.memory_space<vmem>> -> memref<1x1x80x128xf32, #tpu.memory_space<vmem>>
      %dma_wait3A_199 = tpu.memref_squeeze %dma_wait3A_198 : memref<1x1x80x128xf32, #tpu.memory_space<vmem>> -> memref<80x128xf32, #tpu.memory_space<vmem>>
      %dma_wait3A_200 = tpu.memref_slice %arg5[%mul3A_194] : memref<10000xi32, #tpu.memory_space<vmem>> -> memref<80xi32, #tpu.memory_space<vmem>>
      %dma_wait3A_201 = arith.constant 0 : i32
      %dma_wait3A_202 = arith.constant 0 : i32
      %dma_wait3A_203 = tpu.memref_slice %arg2[%dma_wait3A_201, %dma_wait3A_202] : memref<10000x128xf32, #tpu.memory_space<hbm>> -> memref<10000x128xf32, #tpu.memory_space<hbm>>
      tpu.wait_indirect_dma semaphore(%arg7 : memref<!tpu.dma_semaphore, #tpu.memory_space<semaphore_mem>>) src(%dma_wait3A_203 : memref<10000x128xf32, #tpu.memory_space<hbm>>) dst(%dma_wait3A_199 : memref<80x128xf32, #tpu.memory_space<vmem>>)
      %mul3A_204 = arith.constant 5 : i32
      %mul3A_205 = arith.muli %scan3A_139, %mul3A_204 : i32
      %add3A_206 = arith.constant 4 : i32
      %add3A_207 = arith.addi %mul3A_205, %add3A_206 : i32
      %mul3A_208 = arith.constant 80 : i32
      %mul3A_209 = arith.muli %add3A_207, %mul3A_208 : i32
      %dma_wait3A_210 = arith.constant 4 : i32
      %dma_wait3A_211 = arith.constant 0 : i32
      %dma_wait3A_212 = arith.constant 0 : i32
      %dma_wait3A_213 = tpu.memref_slice %arg6[%rem3A_142, %dma_wait3A_210, %dma_wait3A_211, %dma_wait3A_212] : memref<2x5x80x128xf32, #tpu.memory_space<vmem>> -> memref<1x1x80x128xf32, #tpu.memory_space<vmem>>
      %dma_wait3A_214 = tpu.memref_squeeze %dma_wait3A_213 : memref<1x1x80x128xf32, #tpu.memory_space<vmem>> -> memref<80x128xf32, #tpu.memory_space<vmem>>
      %dma_wait3A_215 = tpu.memref_slice %arg5[%mul3A_209] : memref<10000xi32, #tpu.memory_space<vmem>> -> memref<80xi32, #tpu.memory_space<vmem>>
      %dma_wait3A_216 = arith.constant 0 : i32
      %dma_wait3A_217 = arith.constant 0 : i32
      %dma_wait3A_218 = tpu.memref_slice %arg2[%dma_wait3A_216, %dma_wait3A_217] : memref<10000x128xf32, #tpu.memory_space<hbm>> -> memref<10000x128xf32, #tpu.memory_space<hbm>>
      tpu.wait_indirect_dma semaphore(%arg7 : memref<!tpu.dma_semaphore, #tpu.memory_space<semaphore_mem>>) src(%dma_wait3A_218 : memref<10000x128xf32, #tpu.memory_space<hbm>>) dst(%dma_wait3A_214 : memref<80x128xf32, #tpu.memory_space<vmem>>)
      %gt3A = arith.constant 0 : i32
      %gt3A_219 = arith.cmpi sgt, %scan3A_139, %gt3A : i32
      %convert_element_type3A = arith.extui %gt3A_219 : i1 to i32
      %cond3A = arith.constant 0 : i32
      %cond3A_220 = arith.cmpi ne, %convert_element_type3A, %cond3A : i32
      scf.if %cond3A_220 {
        %sub3A_328 = arith.constant 1 : i32
        %sub3A_329 = arith.subi %scan3A_139, %sub3A_328 : i32
        %mul3A_330 = arith.constant 5 : i32
        %mul3A_331 = arith.muli %sub3A_329, %mul3A_330 : i32
        %add3A_332 = arith.constant 0 : i32
        %add3A_333 = arith.addi %mul3A_331, %add3A_332 : i32
        %mul3A_334 = arith.constant 80 : i32
        %mul3A_335 = arith.muli %add3A_333, %mul3A_334 : i32
        %add3A_336 = arith.addi %mul3A_2, %mul3A_335 : i32
        %dma_wait3A_337 = arith.constant 0 : i32
        %dma_wait3A_338 = arith.constant 0 : i32
        %dma_wait3A_339 = arith.constant 0 : i32
        %dma_wait3A_340 = tpu.memref_slice %arg6[%sub3A_143, %dma_wait3A_337, %dma_wait3A_338, %dma_wait3A_339] : memref<2x5x80x128xf32, #tpu.memory_space<vmem>> -> memref<1x1x80x128xf32, #tpu.memory_space<vmem>>
        %dma_wait3A_341 = tpu.memref_squeeze %dma_wait3A_340 : memref<1x1x80x128xf32, #tpu.memory_space<vmem>> -> memref<80x128xf32, #tpu.memory_space<vmem>>
        %dma_wait3A_342 = arith.constant 0 : i32
        %dma_wait3A_343 = tpu.memref_slice %arg4[%add3A_336, %dma_wait3A_342] : memref<320000x128xf32, #tpu.memory_space<hbm>> -> memref<80x128xf32, #tpu.memory_space<hbm>>
        %dma_wait3A_344 = arith.constant 0 : i32
        %dma_wait3A_345 = tpu.memref_slice %arg4[%add3A_336, %dma_wait3A_344] : memref<320000x128xf32, #tpu.memory_space<hbm>> -> memref<80x128xf32, #tpu.memory_space<hbm>>
        %dma_wait3A_346 = arith.constant 0 : i32
        %dma_wait3A_347 = arith.constant 0 : i32
        %dma_wait3A_348 = tpu.memref_slice %arg6[%sub3A_143, %dma_wait3A_337, %dma_wait3A_346, %dma_wait3A_347] : memref<2x5x80x128xf32, #tpu.memory_space<vmem>> -> memref<1x1x80x128xf32, #tpu.memory_space<vmem>>
        %dma_wait3A_349 = tpu.memref_squeeze %dma_wait3A_348 : memref<1x1x80x128xf32, #tpu.memory_space<vmem>> -> memref<80x128xf32, #tpu.memory_space<vmem>>
        tpu.wait_dma2 semaphore(%arg8 : memref<!tpu.dma_semaphore, #tpu.memory_space<semaphore_mem>>) src(%dma_wait3A_349 : memref<80x128xf32, #tpu.memory_space<vmem>>) dst(%dma_wait3A_345 : memref<80x128xf32, #tpu.memory_space<hbm>>)
        %mul3A_350 = arith.constant 5 : i32
        %mul3A_351 = arith.muli %sub3A_329, %mul3A_350 : i32
        %add3A_352 = arith.constant 1 : i32
        %add3A_353 = arith.addi %mul3A_351, %add3A_352 : i32
        %mul3A_354 = arith.constant 80 : i32
        %mul3A_355 = arith.muli %add3A_353, %mul3A_354 : i32
        %add3A_356 = arith.addi %mul3A_2, %mul3A_355 : i32
        %dma_wait3A_357 = arith.constant 1 : i32
        %dma_wait3A_358 = arith.constant 0 : i32
        %dma_wait3A_359 = arith.constant 0 : i32
        %dma_wait3A_360 = tpu.memref_slice %arg6[%sub3A_143, %dma_wait3A_357, %dma_wait3A_358, %dma_wait3A_359] : memref<2x5x80x128xf32, #tpu.memory_space<vmem>> -> memref<1x1x80x128xf32, #tpu.memory_space<vmem>>
        %dma_wait3A_361 = tpu.memref_squeeze %dma_wait3A_360 : memref<1x1x80x128xf32, #tpu.memory_space<vmem>> -> memref<80x128xf32, #tpu.memory_space<vmem>>
        %dma_wait3A_362 = arith.constant 0 : i32
        %dma_wait3A_363 = tpu.memref_slice %arg4[%add3A_356, %dma_wait3A_362] : memref<320000x128xf32, #tpu.memory_space<hbm>> -> memref<80x128xf32, #tpu.memory_space<hbm>>
        %dma_wait3A_364 = arith.constant 0 : i32
        %dma_wait3A_365 = tpu.memref_slice %arg4[%add3A_356, %dma_wait3A_364] : memref<320000x128xf32, #tpu.memory_space<hbm>> -> memref<80x128xf32, #tpu.memory_space<hbm>>
        %dma_wait3A_366 = arith.constant 0 : i32
        %dma_wait3A_367 = arith.constant 0 : i32
        %dma_wait3A_368 = tpu.memref_slice %arg6[%sub3A_143, %dma_wait3A_357, %dma_wait3A_366, %dma_wait3A_367] : memref<2x5x80x128xf32, #tpu.memory_space<vmem>> -> memref<1x1x80x128xf32, #tpu.memory_space<vmem>>
        %dma_wait3A_369 = tpu.memref_squeeze %dma_wait3A_368 : memref<1x1x80x128xf32, #tpu.memory_space<vmem>> -> memref<80x128xf32, #tpu.memory_space<vmem>>
        tpu.wait_dma2 semaphore(%arg8 : memref<!tpu.dma_semaphore, #tpu.memory_space<semaphore_mem>>) src(%dma_wait3A_369 : memref<80x128xf32, #tpu.memory_space<vmem>>) dst(%dma_wait3A_365 : memref<80x128xf32, #tpu.memory_space<hbm>>)
        %mul3A_370 = arith.constant 5 : i32
        %mul3A_371 = arith.muli %sub3A_329, %mul3A_370 : i32
        %add3A_372 = arith.constant 2 : i32
        %add3A_373 = arith.addi %mul3A_371, %add3A_372 : i32
        %mul3A_374 = arith.constant 80 : i32
        %mul3A_375 = arith.muli %add3A_373, %mul3A_374 : i32
        %add3A_376 = arith.addi %mul3A_2, %mul3A_375 : i32
        %dma_wait3A_377 = arith.constant 2 : i32
        %dma_wait3A_378 = arith.constant 0 : i32
        %dma_wait3A_379 = arith.constant 0 : i32
        %dma_wait3A_380 = tpu.memref_slice %arg6[%sub3A_143, %dma_wait3A_377, %dma_wait3A_378, %dma_wait3A_379] : memref<2x5x80x128xf32, #tpu.memory_space<vmem>> -> memref<1x1x80x128xf32, #tpu.memory_space<vmem>>
        %dma_wait3A_381 = tpu.memref_squeeze %dma_wait3A_380 : memref<1x1x80x128xf32, #tpu.memory_space<vmem>> -> memref<80x128xf32, #tpu.memory_space<vmem>>
        %dma_wait3A_382 = arith.constant 0 : i32
        %dma_wait3A_383 = tpu.memref_slice %arg4[%add3A_376, %dma_wait3A_382] : memref<320000x128xf32, #tpu.memory_space<hbm>> -> memref<80x128xf32, #tpu.memory_space<hbm>>
        %dma_wait3A_384 = arith.constant 0 : i32
        %dma_wait3A_385 = tpu.memref_slice %arg4[%add3A_376, %dma_wait3A_384] : memref<320000x128xf32, #tpu.memory_space<hbm>> -> memref<80x128xf32, #tpu.memory_space<hbm>>
        %dma_wait3A_386 = arith.constant 0 : i32
        %dma_wait3A_387 = arith.constant 0 : i32
        %dma_wait3A_388 = tpu.memref_slice %arg6[%sub3A_143, %dma_wait3A_377, %dma_wait3A_386, %dma_wait3A_387] : memref<2x5x80x128xf32, #tpu.memory_space<vmem>> -> memref<1x1x80x128xf32, #tpu.memory_space<vmem>>
        %dma_wait3A_389 = tpu.memref_squeeze %dma_wait3A_388 : memref<1x1x80x128xf32, #tpu.memory_space<vmem>> -> memref<80x128xf32, #tpu.memory_space<vmem>>
        tpu.wait_dma2 semaphore(%arg8 : memref<!tpu.dma_semaphore, #tpu.memory_space<semaphore_mem>>) src(%dma_wait3A_389 : memref<80x128xf32, #tpu.memory_space<vmem>>) dst(%dma_wait3A_385 : memref<80x128xf32, #tpu.memory_space<hbm>>)
        %mul3A_390 = arith.constant 5 : i32
        %mul3A_391 = arith.muli %sub3A_329, %mul3A_390 : i32
        %add3A_392 = arith.constant 3 : i32
        %add3A_393 = arith.addi %mul3A_391, %add3A_392 : i32
        %mul3A_394 = arith.constant 80 : i32
        %mul3A_395 = arith.muli %add3A_393, %mul3A_394 : i32
        %add3A_396 = arith.addi %mul3A_2, %mul3A_395 : i32
        %dma_wait3A_397 = arith.constant 3 : i32
        %dma_wait3A_398 = arith.constant 0 : i32
        %dma_wait3A_399 = arith.constant 0 : i32
        %dma_wait3A_400 = tpu.memref_slice %arg6[%sub3A_143, %dma_wait3A_397, %dma_wait3A_398, %dma_wait3A_399] : memref<2x5x80x128xf32, #tpu.memory_space<vmem>> -> memref<1x1x80x128xf32, #tpu.memory_space<vmem>>
        %dma_wait3A_401 = tpu.memref_squeeze %dma_wait3A_400 : memref<1x1x80x128xf32, #tpu.memory_space<vmem>> -> memref<80x128xf32, #tpu.memory_space<vmem>>
        %dma_wait3A_402 = arith.constant 0 : i32
        %dma_wait3A_403 = tpu.memref_slice %arg4[%add3A_396, %dma_wait3A_402] : memref<320000x128xf32, #tpu.memory_space<hbm>> -> memref<80x128xf32, #tpu.memory_space<hbm>>
        %dma_wait3A_404 = arith.constant 0 : i32
        %dma_wait3A_405 = tpu.memref_slice %arg4[%add3A_396, %dma_wait3A_404] : memref<320000x128xf32, #tpu.memory_space<hbm>> -> memref<80x128xf32, #tpu.memory_space<hbm>>
        %dma_wait3A_406 = arith.constant 0 : i32
        %dma_wait3A_407 = arith.constant 0 : i32
        %dma_wait3A_408 = tpu.memref_slice %arg6[%sub3A_143, %dma_wait3A_397, %dma_wait3A_406, %dma_wait3A_407] : memref<2x5x80x128xf32, #tpu.memory_space<vmem>> -> memref<1x1x80x128xf32, #tpu.memory_space<vmem>>
        %dma_wait3A_409 = tpu.memref_squeeze %dma_wait3A_408 : memref<1x1x80x128xf32, #tpu.memory_space<vmem>> -> memref<80x128xf32, #tpu.memory_space<vmem>>
        tpu.wait_dma2 semaphore(%arg8 : memref<!tpu.dma_semaphore, #tpu.memory_space<semaphore_mem>>) src(%dma_wait3A_409 : memref<80x128xf32, #tpu.memory_space<vmem>>) dst(%dma_wait3A_405 : memref<80x128xf32, #tpu.memory_space<hbm>>)
        %mul3A_410 = arith.constant 5 : i32
        %mul3A_411 = arith.muli %sub3A_329, %mul3A_410 : i32
        %add3A_412 = arith.constant 4 : i32
        %add3A_413 = arith.addi %mul3A_411, %add3A_412 : i32
        %mul3A_414 = arith.constant 80 : i32
        %mul3A_415 = arith.muli %add3A_413, %mul3A_414 : i32
        %add3A_416 = arith.addi %mul3A_2, %mul3A_415 : i32
        %dma_wait3A_417 = arith.constant 4 : i32
        %dma_wait3A_418 = arith.constant 0 : i32
        %dma_wait3A_419 = arith.constant 0 : i32
        %dma_wait3A_420 = tpu.memref_slice %arg6[%sub3A_143, %dma_wait3A_417, %dma_wait3A_418, %dma_wait3A_419] : memref<2x5x80x128xf32, #tpu.memory_space<vmem>> -> memref<1x1x80x128xf32, #tpu.memory_space<vmem>>
        %dma_wait3A_421 = tpu.memref_squeeze %dma_wait3A_420 : memref<1x1x80x128xf32, #tpu.memory_space<vmem>> -> memref<80x128xf32, #tpu.memory_space<vmem>>
        %dma_wait3A_422 = arith.constant 0 : i32
        %dma_wait3A_423 = tpu.memref_slice %arg4[%add3A_416, %dma_wait3A_422] : memref<320000x128xf32, #tpu.memory_space<hbm>> -> memref<80x128xf32, #tpu.memory_space<hbm>>
        %dma_wait3A_424 = arith.constant 0 : i32
        %dma_wait3A_425 = tpu.memref_slice %arg4[%add3A_416, %dma_wait3A_424] : memref<320000x128xf32, #tpu.memory_space<hbm>> -> memref<80x128xf32, #tpu.memory_space<hbm>>
        %dma_wait3A_426 = arith.constant 0 : i32
        %dma_wait3A_427 = arith.constant 0 : i32
        %dma_wait3A_428 = tpu.memref_slice %arg6[%sub3A_143, %dma_wait3A_417, %dma_wait3A_426, %dma_wait3A_427] : memref<2x5x80x128xf32, #tpu.memory_space<vmem>> -> memref<1x1x80x128xf32, #tpu.memory_space<vmem>>
        %dma_wait3A_429 = tpu.memref_squeeze %dma_wait3A_428 : memref<1x1x80x128xf32, #tpu.memory_space<vmem>> -> memref<80x128xf32, #tpu.memory_space<vmem>>
        tpu.wait_dma2 semaphore(%arg8 : memref<!tpu.dma_semaphore, #tpu.memory_space<semaphore_mem>>) src(%dma_wait3A_429 : memref<80x128xf32, #tpu.memory_space<vmem>>) dst(%dma_wait3A_425 : memref<80x128xf32, #tpu.memory_space<hbm>>)
      } else {
      }
      %add3A_221 = arith.constant 1 : i32
      %add3A_222 = arith.addi %scan3A_139, %add3A_221 : i32
      %lt3A = arith.constant 25 : i32
      %lt3A_223 = arith.cmpi slt, %add3A_222, %lt3A : i32
      %convert_element_type3A_224 = arith.extui %lt3A_223 : i1 to i32
      %cond3A_225 = arith.constant 0 : i32
      %cond3A_226 = arith.cmpi ne, %convert_element_type3A_224, %cond3A_225 : i32
      scf.if %cond3A_226 {
        %add3A_328 = arith.constant 1 : i32
        %add3A_329 = arith.addi %scan3A_139, %add3A_328 : i32
        %mul3A_330 = arith.constant 5 : i32
        %mul3A_331 = arith.muli %add3A_329, %mul3A_330 : i32
        %add3A_332 = arith.constant 0 : i32
        %add3A_333 = arith.addi %mul3A_331, %add3A_332 : i32
        %mul3A_334 = arith.constant 80 : i32
        %mul3A_335 = arith.muli %add3A_333, %mul3A_334 : i32
        %dma_start3A_336 = arith.constant 0 : i32
        %dma_start3A_337 = arith.constant 0 : i32
        %dma_start3A_338 = arith.constant 0 : i32
        %dma_start3A_339 = tpu.memref_slice %arg6[%sub3A_143, %dma_start3A_336, %dma_start3A_337, %dma_start3A_338] : memref<2x5x80x128xf32, #tpu.memory_space<vmem>> -> memref<1x1x80x128xf32, #tpu.memory_space<vmem>>
        %dma_start3A_340 = tpu.memref_squeeze %dma_start3A_339 : memref<1x1x80x128xf32, #tpu.memory_space<vmem>> -> memref<80x128xf32, #tpu.memory_space<vmem>>
        %dma_start3A_341 = tpu.memref_slice %arg5[%mul3A_335] : memref<10000xi32, #tpu.memory_space<vmem>> -> memref<80xi32, #tpu.memory_space<vmem>>
        %dma_start3A_342 = arith.constant 0 : i32
        %dma_start3A_343 = arith.constant 0 : i32
        %dma_start3A_344 = tpu.memref_slice %arg2[%dma_start3A_342, %dma_start3A_343] : memref<10000x128xf32, #tpu.memory_space<hbm>> -> memref<10000x128xf32, #tpu.memory_space<hbm>>
        tpu.enqueue_indirect_dma source(%dma_start3A_344 : memref<10000x128xf32, #tpu.memory_space<hbm>>) target(%dma_start3A_340 : memref<80x128xf32, #tpu.memory_space<vmem>>) offsets(%dma_start3A_341 : memref<80xi32, #tpu.memory_space<vmem>>) semaphore(%arg7 : memref<!tpu.dma_semaphore, #tpu.memory_space<semaphore_mem>>)
        %mul3A_345 = arith.constant 5 : i32
        %mul3A_346 = arith.muli %add3A_329, %mul3A_345 : i32
        %add3A_347 = arith.constant 1 : i32
        %add3A_348 = arith.addi %mul3A_346, %add3A_347 : i32
        %mul3A_349 = arith.constant 80 : i32
        %mul3A_350 = arith.muli %add3A_348, %mul3A_349 : i32
        %dma_start3A_351 = arith.constant 1 : i32
        %dma_start3A_352 = arith.constant 0 : i32
        %dma_start3A_353 = arith.constant 0 : i32
        %dma_start3A_354 = tpu.memref_slice %arg6[%sub3A_143, %dma_start3A_351, %dma_start3A_352, %dma_start3A_353] : memref<2x5x80x128xf32, #tpu.memory_space<vmem>> -> memref<1x1x80x128xf32, #tpu.memory_space<vmem>>
        %dma_start3A_355 = tpu.memref_squeeze %dma_start3A_354 : memref<1x1x80x128xf32, #tpu.memory_space<vmem>> -> memref<80x128xf32, #tpu.memory_space<vmem>>
        %dma_start3A_356 = tpu.memref_slice %arg5[%mul3A_350] : memref<10000xi32, #tpu.memory_space<vmem>> -> memref<80xi32, #tpu.memory_space<vmem>>
        %dma_start3A_357 = arith.constant 0 : i32
        %dma_start3A_358 = arith.constant 0 : i32
        %dma_start3A_359 = tpu.memref_slice %arg2[%dma_start3A_357, %dma_start3A_358] : memref<10000x128xf32, #tpu.memory_space<hbm>> -> memref<10000x128xf32, #tpu.memory_space<hbm>>
        tpu.enqueue_indirect_dma source(%dma_start3A_359 : memref<10000x128xf32, #tpu.memory_space<hbm>>) target(%dma_start3A_355 : memref<80x128xf32, #tpu.memory_space<vmem>>) offsets(%dma_start3A_356 : memref<80xi32, #tpu.memory_space<vmem>>) semaphore(%arg7 : memref<!tpu.dma_semaphore, #tpu.memory_space<semaphore_mem>>)
        %mul3A_360 = arith.constant 5 : i32
        %mul3A_361 = arith.muli %add3A_329, %mul3A_360 : i32
        %add3A_362 = arith.constant 2 : i32
        %add3A_363 = arith.addi %mul3A_361, %add3A_362 : i32
        %mul3A_364 = arith.constant 80 : i32
        %mul3A_365 = arith.muli %add3A_363, %mul3A_364 : i32
        %dma_start3A_366 = arith.constant 2 : i32
        %dma_start3A_367 = arith.constant 0 : i32
        %dma_start3A_368 = arith.constant 0 : i32
        %dma_start3A_369 = tpu.memref_slice %arg6[%sub3A_143, %dma_start3A_366, %dma_start3A_367, %dma_start3A_368] : memref<2x5x80x128xf32, #tpu.memory_space<vmem>> -> memref<1x1x80x128xf32, #tpu.memory_space<vmem>>
        %dma_start3A_370 = tpu.memref_squeeze %dma_start3A_369 : memref<1x1x80x128xf32, #tpu.memory_space<vmem>> -> memref<80x128xf32, #tpu.memory_space<vmem>>
        %dma_start3A_371 = tpu.memref_slice %arg5[%mul3A_365] : memref<10000xi32, #tpu.memory_space<vmem>> -> memref<80xi32, #tpu.memory_space<vmem>>
        %dma_start3A_372 = arith.constant 0 : i32
        %dma_start3A_373 = arith.constant 0 : i32
        %dma_start3A_374 = tpu.memref_slice %arg2[%dma_start3A_372, %dma_start3A_373] : memref<10000x128xf32, #tpu.memory_space<hbm>> -> memref<10000x128xf32, #tpu.memory_space<hbm>>
        tpu.enqueue_indirect_dma source(%dma_start3A_374 : memref<10000x128xf32, #tpu.memory_space<hbm>>) target(%dma_start3A_370 : memref<80x128xf32, #tpu.memory_space<vmem>>) offsets(%dma_start3A_371 : memref<80xi32, #tpu.memory_space<vmem>>) semaphore(%arg7 : memref<!tpu.dma_semaphore, #tpu.memory_space<semaphore_mem>>)
        %mul3A_375 = arith.constant 5 : i32
        %mul3A_376 = arith.muli %add3A_329, %mul3A_375 : i32
        %add3A_377 = arith.constant 3 : i32
        %add3A_378 = arith.addi %mul3A_376, %add3A_377 : i32
        %mul3A_379 = arith.constant 80 : i32
        %mul3A_380 = arith.muli %add3A_378, %mul3A_379 : i32
        %dma_start3A_381 = arith.constant 3 : i32
        %dma_start3A_382 = arith.constant 0 : i32
        %dma_start3A_383 = arith.constant 0 : i32
        %dma_start3A_384 = tpu.memref_slice %arg6[%sub3A_143, %dma_start3A_381, %dma_start3A_382, %dma_start3A_383] : memref<2x5x80x128xf32, #tpu.memory_space<vmem>> -> memref<1x1x80x128xf32, #tpu.memory_space<vmem>>
        %dma_start3A_385 = tpu.memref_squeeze %dma_start3A_384 : memref<1x1x80x128xf32, #tpu.memory_space<vmem>> -> memref<80x128xf32, #tpu.memory_space<vmem>>
        %dma_start3A_386 = tpu.memref_slice %arg5[%mul3A_380] : memref<10000xi32, #tpu.memory_space<vmem>> -> memref<80xi32, #tpu.memory_space<vmem>>
        %dma_start3A_387 = arith.constant 0 : i32
        %dma_start3A_388 = arith.constant 0 : i32
        %dma_start3A_389 = tpu.memref_slice %arg2[%dma_start3A_387, %dma_start3A_388] : memref<10000x128xf32, #tpu.memory_space<hbm>> -> memref<10000x128xf32, #tpu.memory_space<hbm>>
        tpu.enqueue_indirect_dma source(%dma_start3A_389 : memref<10000x128xf32, #tpu.memory_space<hbm>>) target(%dma_start3A_385 : memref<80x128xf32, #tpu.memory_space<vmem>>) offsets(%dma_start3A_386 : memref<80xi32, #tpu.memory_space<vmem>>) semaphore(%arg7 : memref<!tpu.dma_semaphore, #tpu.memory_space<semaphore_mem>>)
        %mul3A_390 = arith.constant 5 : i32
        %mul3A_391 = arith.muli %add3A_329, %mul3A_390 : i32
        %add3A_392 = arith.constant 4 : i32
        %add3A_393 = arith.addi %mul3A_391, %add3A_392 : i32
        %mul3A_394 = arith.constant 80 : i32
        %mul3A_395 = arith.muli %add3A_393, %mul3A_394 : i32
        %dma_start3A_396 = arith.constant 4 : i32
        %dma_start3A_397 = arith.constant 0 : i32
        %dma_start3A_398 = arith.constant 0 : i32
        %dma_start3A_399 = tpu.memref_slice %arg6[%sub3A_143, %dma_start3A_396, %dma_start3A_397, %dma_start3A_398] : memref<2x5x80x128xf32, #tpu.memory_space<vmem>> -> memref<1x1x80x128xf32, #tpu.memory_space<vmem>>
        %dma_start3A_400 = tpu.memref_squeeze %dma_start3A_399 : memref<1x1x80x128xf32, #tpu.memory_space<vmem>> -> memref<80x128xf32, #tpu.memory_space<vmem>>
        %dma_start3A_401 = tpu.memref_slice %arg5[%mul3A_395] : memref<10000xi32, #tpu.memory_space<vmem>> -> memref<80xi32, #tpu.memory_space<vmem>>
        %dma_start3A_402 = arith.constant 0 : i32
        %dma_start3A_403 = arith.constant 0 : i32
        %dma_start3A_404 = tpu.memref_slice %arg2[%dma_start3A_402, %dma_start3A_403] : memref<10000x128xf32, #tpu.memory_space<hbm>> -> memref<10000x128xf32, #tpu.memory_space<hbm>>
        tpu.enqueue_indirect_dma source(%dma_start3A_404 : memref<10000x128xf32, #tpu.memory_space<hbm>>) target(%dma_start3A_400 : memref<80x128xf32, #tpu.memory_space<vmem>>) offsets(%dma_start3A_401 : memref<80xi32, #tpu.memory_space<vmem>>) semaphore(%arg7 : memref<!tpu.dma_semaphore, #tpu.memory_space<semaphore_mem>>)
      } else {
      }
      %mul3A_227 = arith.constant 5 : i32
      %mul3A_228 = arith.muli %scan3A_139, %mul3A_227 : i32
      %add3A_229 = arith.constant 0 : i32
      %add3A_230 = arith.addi %mul3A_228, %add3A_229 : i32
      %mul3A_231 = arith.constant 80 : i32
      %mul3A_232 = arith.muli %add3A_230, %mul3A_231 : i32
      %add3A_233 = arith.addi %mul3A_2, %mul3A_232 : i32
      %dma_start3A_234 = arith.constant 0 : i32
      %dma_start3A_235 = arith.constant 0 : i32
      %dma_start3A_236 = arith.constant 0 : i32
      %dma_start3A_237 = tpu.memref_slice %arg6[%rem3A_142, %dma_start3A_234, %dma_start3A_235, %dma_start3A_236] : memref<2x5x80x128xf32, #tpu.memory_space<vmem>> -> memref<1x1x80x128xf32, #tpu.memory_space<vmem>>
      %dma_start3A_238 = tpu.memref_squeeze %dma_start3A_237 : memref<1x1x80x128xf32, #tpu.memory_space<vmem>> -> memref<80x128xf32, #tpu.memory_space<vmem>>
      %dma_start3A_239 = arith.constant 0 : i32
      %dma_start3A_240 = tpu.memref_slice %arg4[%add3A_233, %dma_start3A_239] : memref<320000x128xf32, #tpu.memory_space<hbm>> -> memref<80x128xf32, #tpu.memory_space<hbm>>
      %dma_start3A_241 = arith.constant 0 : i32
      %dma_start3A_242 = tpu.memref_slice %arg4[%add3A_233, %dma_start3A_241] : memref<320000x128xf32, #tpu.memory_space<hbm>> -> memref<80x128xf32, #tpu.memory_space<hbm>>
      %dma_start3A_243 = arith.constant 0 : i32
      %dma_start3A_244 = arith.constant 0 : i32
      %dma_start3A_245 = tpu.memref_slice %arg6[%rem3A_142, %dma_start3A_234, %dma_start3A_243, %dma_start3A_244] : memref<2x5x80x128xf32, #tpu.memory_space<vmem>> -> memref<1x1x80x128xf32, #tpu.memory_space<vmem>>
      %dma_start3A_246 = tpu.memref_squeeze %dma_start3A_245 : memref<1x1x80x128xf32, #tpu.memory_space<vmem>> -> memref<80x128xf32, #tpu.memory_space<vmem>>
      tpu.enqueue_dma source(%dma_start3A_246 : memref<80x128xf32, #tpu.memory_space<vmem>>) target(%dma_start3A_242 : memref<80x128xf32, #tpu.memory_space<hbm>>) target_semaphore(%arg8 : memref<!tpu.dma_semaphore, #tpu.memory_space<semaphore_mem>>)
      %mul3A_247 = arith.constant 5 : i32
      %mul3A_248 = arith.muli %scan3A_139, %mul3A_247 : i32
      %add3A_249 = arith.constant 1 : i32
      %add3A_250 = arith.addi %mul3A_248, %add3A_249 : i32
      %mul3A_251 = arith.constant 80 : i32
      %mul3A_252 = arith.muli %add3A_250, %mul3A_251 : i32
      %add3A_253 = arith.addi %mul3A_2, %mul3A_252 : i32
      %dma_start3A_254 = arith.constant 1 : i32
      %dma_start3A_255 = arith.constant 0 : i32
      %dma_start3A_256 = arith.constant 0 : i32
      %dma_start3A_257 = tpu.memref_slice %arg6[%rem3A_142, %dma_start3A_254, %dma_start3A_255, %dma_start3A_256] : memref<2x5x80x128xf32, #tpu.memory_space<vmem>> -> memref<1x1x80x128xf32, #tpu.memory_space<vmem>>
      %dma_start3A_258 = tpu.memref_squeeze %dma_start3A_257 : memref<1x1x80x128xf32, #tpu.memory_space<vmem>> -> memref<80x128xf32, #tpu.memory_space<vmem>>
      %dma_start3A_259 = arith.constant 0 : i32
      %dma_start3A_260 = tpu.memref_slice %arg4[%add3A_253, %dma_start3A_259] : memref<320000x128xf32, #tpu.memory_space<hbm>> -> memref<80x128xf32, #tpu.memory_space<hbm>>
      %dma_start3A_261 = arith.constant 0 : i32
      %dma_start3A_262 = tpu.memref_slice %arg4[%add3A_253, %dma_start3A_261] : memref<320000x128xf32, #tpu.memory_space<hbm>> -> memref<80x128xf32, #tpu.memory_space<hbm>>
      %dma_start3A_263 = arith.constant 0 : i32
      %dma_start3A_264 = arith.constant 0 : i32
      %dma_start3A_265 = tpu.memref_slice %arg6[%rem3A_142, %dma_start3A_254, %dma_start3A_263, %dma_start3A_264] : memref<2x5x80x128xf32, #tpu.memory_space<vmem>> -> memref<1x1x80x128xf32, #tpu.memory_space<vmem>>
      %dma_start3A_266 = tpu.memref_squeeze %dma_start3A_265 : memref<1x1x80x128xf32, #tpu.memory_space<vmem>> -> memref<80x128xf32, #tpu.memory_space<vmem>>
      tpu.enqueue_dma source(%dma_start3A_266 : memref<80x128xf32, #tpu.memory_space<vmem>>) target(%dma_start3A_262 : memref<80x128xf32, #tpu.memory_space<hbm>>) target_semaphore(%arg8 : memref<!tpu.dma_semaphore, #tpu.memory_space<semaphore_mem>>)
      %mul3A_267 = arith.constant 5 : i32
      %mul3A_268 = arith.muli %scan3A_139, %mul3A_267 : i32
      %add3A_269 = arith.constant 2 : i32
      %add3A_270 = arith.addi %mul3A_268, %add3A_269 : i32
      %mul3A_271 = arith.constant 80 : i32
      %mul3A_272 = arith.muli %add3A_270, %mul3A_271 : i32
      %add3A_273 = arith.addi %mul3A_2, %mul3A_272 : i32
      %dma_start3A_274 = arith.constant 2 : i32
      %dma_start3A_275 = arith.constant 0 : i32
      %dma_start3A_276 = arith.constant 0 : i32
      %dma_start3A_277 = tpu.memref_slice %arg6[%rem3A_142, %dma_start3A_274, %dma_start3A_275, %dma_start3A_276] : memref<2x5x80x128xf32, #tpu.memory_space<vmem>> -> memref<1x1x80x128xf32, #tpu.memory_space<vmem>>
      %dma_start3A_278 = tpu.memref_squeeze %dma_start3A_277 : memref<1x1x80x128xf32, #tpu.memory_space<vmem>> -> memref<80x128xf32, #tpu.memory_space<vmem>>
      %dma_start3A_279 = arith.constant 0 : i32
      %dma_start3A_280 = tpu.memref_slice %arg4[%add3A_273, %dma_start3A_279] : memref<320000x128xf32, #tpu.memory_space<hbm>> -> memref<80x128xf32, #tpu.memory_space<hbm>>
      %dma_start3A_281 = arith.constant 0 : i32
      %dma_start3A_282 = tpu.memref_slice %arg4[%add3A_273, %dma_start3A_281] : memref<320000x128xf32, #tpu.memory_space<hbm>> -> memref<80x128xf32, #tpu.memory_space<hbm>>
      %dma_start3A_283 = arith.constant 0 : i32
      %dma_start3A_284 = arith.constant 0 : i32
      %dma_start3A_285 = tpu.memref_slice %arg6[%rem3A_142, %dma_start3A_274, %dma_start3A_283, %dma_start3A_284] : memref<2x5x80x128xf32, #tpu.memory_space<vmem>> -> memref<1x1x80x128xf32, #tpu.memory_space<vmem>>
      %dma_start3A_286 = tpu.memref_squeeze %dma_start3A_285 : memref<1x1x80x128xf32, #tpu.memory_space<vmem>> -> memref<80x128xf32, #tpu.memory_space<vmem>>
      tpu.enqueue_dma source(%dma_start3A_286 : memref<80x128xf32, #tpu.memory_space<vmem>>) target(%dma_start3A_282 : memref<80x128xf32, #tpu.memory_space<hbm>>) target_semaphore(%arg8 : memref<!tpu.dma_semaphore, #tpu.memory_space<semaphore_mem>>)
      %mul3A_287 = arith.constant 5 : i32
      %mul3A_288 = arith.muli %scan3A_139, %mul3A_287 : i32
      %add3A_289 = arith.constant 3 : i32
      %add3A_290 = arith.addi %mul3A_288, %add3A_289 : i32
      %mul3A_291 = arith.constant 80 : i32
      %mul3A_292 = arith.muli %add3A_290, %mul3A_291 : i32
      %add3A_293 = arith.addi %mul3A_2, %mul3A_292 : i32
      %dma_start3A_294 = arith.constant 3 : i32
      %dma_start3A_295 = arith.constant 0 : i32
      %dma_start3A_296 = arith.constant 0 : i32
      %dma_start3A_297 = tpu.memref_slice %arg6[%rem3A_142, %dma_start3A_294, %dma_start3A_295, %dma_start3A_296] : memref<2x5x80x128xf32, #tpu.memory_space<vmem>> -> memref<1x1x80x128xf32, #tpu.memory_space<vmem>>
      %dma_start3A_298 = tpu.memref_squeeze %dma_start3A_297 : memref<1x1x80x128xf32, #tpu.memory_space<vmem>> -> memref<80x128xf32, #tpu.memory_space<vmem>>
      %dma_start3A_299 = arith.constant 0 : i32
      %dma_start3A_300 = tpu.memref_slice %arg4[%add3A_293, %dma_start3A_299] : memref<320000x128xf32, #tpu.memory_space<hbm>> -> memref<80x128xf32, #tpu.memory_space<hbm>>
      %dma_start3A_301 = arith.constant 0 : i32
      %dma_start3A_302 = tpu.memref_slice %arg4[%add3A_293, %dma_start3A_301] : memref<320000x128xf32, #tpu.memory_space<hbm>> -> memref<80x128xf32, #tpu.memory_space<hbm>>
      %dma_start3A_303 = arith.constant 0 : i32
      %dma_start3A_304 = arith.constant 0 : i32
      %dma_start3A_305 = tpu.memref_slice %arg6[%rem3A_142, %dma_start3A_294, %dma_start3A_303, %dma_start3A_304] : memref<2x5x80x128xf32, #tpu.memory_space<vmem>> -> memref<1x1x80x128xf32, #tpu.memory_space<vmem>>
      %dma_start3A_306 = tpu.memref_squeeze %dma_start3A_305 : memref<1x1x80x128xf32, #tpu.memory_space<vmem>> -> memref<80x128xf32, #tpu.memory_space<vmem>>
      tpu.enqueue_dma source(%dma_start3A_306 : memref<80x128xf32, #tpu.memory_space<vmem>>) target(%dma_start3A_302 : memref<80x128xf32, #tpu.memory_space<hbm>>) target_semaphore(%arg8 : memref<!tpu.dma_semaphore, #tpu.memory_space<semaphore_mem>>)
      %mul3A_307 = arith.constant 5 : i32
      %mul3A_308 = arith.muli %scan3A_139, %mul3A_307 : i32
      %add3A_309 = arith.constant 4 : i32
      %add3A_310 = arith.addi %mul3A_308, %add3A_309 : i32
      %mul3A_311 = arith.constant 80 : i32
      %mul3A_312 = arith.muli %add3A_310, %mul3A_311 : i32
      %add3A_313 = arith.addi %mul3A_2, %mul3A_312 : i32
      %dma_start3A_314 = arith.constant 4 : i32
      %dma_start3A_315 = arith.constant 0 : i32
      %dma_start3A_316 = arith.constant 0 : i32
      %dma_start3A_317 = tpu.memref_slice %arg6[%rem3A_142, %dma_start3A_314, %dma_start3A_315, %dma_start3A_316] : memref<2x5x80x128xf32, #tpu.memory_space<vmem>> -> memref<1x1x80x128xf32, #tpu.memory_space<vmem>>
      %dma_start3A_318 = tpu.memref_squeeze %dma_start3A_317 : memref<1x1x80x128xf32, #tpu.memory_space<vmem>> -> memref<80x128xf32, #tpu.memory_space<vmem>>
      %dma_start3A_319 = arith.constant 0 : i32
      %dma_start3A_320 = tpu.memref_slice %arg4[%add3A_313, %dma_start3A_319] : memref<320000x128xf32, #tpu.memory_space<hbm>> -> memref<80x128xf32, #tpu.memory_space<hbm>>
      %dma_start3A_321 = arith.constant 0 : i32
      %dma_start3A_322 = tpu.memref_slice %arg4[%add3A_313, %dma_start3A_321] : memref<320000x128xf32, #tpu.memory_space<hbm>> -> memref<80x128xf32, #tpu.memory_space<hbm>>
      %dma_start3A_323 = arith.constant 0 : i32
      %dma_start3A_324 = arith.constant 0 : i32
      %dma_start3A_325 = tpu.memref_slice %arg6[%rem3A_142, %dma_start3A_314, %dma_start3A_323, %dma_start3A_324] : memref<2x5x80x128xf32, #tpu.memory_space<vmem>> -> memref<1x1x80x128xf32, #tpu.memory_space<vmem>>
      %dma_start3A_326 = tpu.memref_squeeze %dma_start3A_325 : memref<1x1x80x128xf32, #tpu.memory_space<vmem>> -> memref<80x128xf32, #tpu.memory_space<vmem>>
      tpu.enqueue_dma source(%dma_start3A_326 : memref<80x128xf32, #tpu.memory_space<vmem>>) target(%dma_start3A_322 : memref<80x128xf32, #tpu.memory_space<hbm>>) target_semaphore(%arg8 : memref<!tpu.dma_semaphore, #tpu.memory_space<semaphore_mem>>)
      %scan3A_327 = arith.constant 0 : i32
      scf.yield %scan3A_327 : i32
    }
    %scan3A_62 = arith.constant 25 : i32
    %rem3A = arith.constant 24 : i32
    %rem3A_63 = arith.constant 2 : i32
    %rem3A_64 = arith.remsi %rem3A, %rem3A_63 : i32
    %add3A_65 = arith.constant 9600 : i32
    %add3A_66 = arith.addi %mul3A_2, %add3A_65 : i32
    %dma_wait3A = arith.constant 0 : i32
    %dma_wait3A_67 = arith.constant 0 : i32
    %dma_wait3A_68 = arith.constant 0 : i32
    %dma_wait3A_69 = tpu.memref_slice %arg6[%rem3A_64, %dma_wait3A, %dma_wait3A_67, %dma_wait3A_68] : memref<2x5x80x128xf32, #tpu.memory_space<vmem>> -> memref<1x1x80x128xf32, #tpu.memory_space<vmem>>
    %dma_wait3A_70 = tpu.memref_squeeze %dma_wait3A_69 : memref<1x1x80x128xf32, #tpu.memory_space<vmem>> -> memref<80x128xf32, #tpu.memory_space<vmem>>
    %dma_wait3A_71 = arith.constant 0 : i32
    %dma_wait3A_72 = tpu.memref_slice %arg4[%add3A_66, %dma_wait3A_71] : memref<320000x128xf32, #tpu.memory_space<hbm>> -> memref<80x128xf32, #tpu.memory_space<hbm>>
    %dma_wait3A_73 = arith.constant 0 : i32
    %dma_wait3A_74 = tpu.memref_slice %arg4[%add3A_66, %dma_wait3A_73] : memref<320000x128xf32, #tpu.memory_space<hbm>> -> memref<80x128xf32, #tpu.memory_space<hbm>>
    %dma_wait3A_75 = arith.constant 0 : i32
    %dma_wait3A_76 = arith.constant 0 : i32
    %dma_wait3A_77 = tpu.memref_slice %arg6[%rem3A_64, %dma_wait3A, %dma_wait3A_75, %dma_wait3A_76] : memref<2x5x80x128xf32, #tpu.memory_space<vmem>> -> memref<1x1x80x128xf32, #tpu.memory_space<vmem>>
    %dma_wait3A_78 = tpu.memref_squeeze %dma_wait3A_77 : memref<1x1x80x128xf32, #tpu.memory_space<vmem>> -> memref<80x128xf32, #tpu.memory_space<vmem>>
    tpu.wait_dma2 semaphore(%arg8 : memref<!tpu.dma_semaphore, #tpu.memory_space<semaphore_mem>>) src(%dma_wait3A_78 : memref<80x128xf32, #tpu.memory_space<vmem>>) dst(%dma_wait3A_74 : memref<80x128xf32, #tpu.memory_space<hbm>>)
    %add3A_79 = arith.constant 9680 : i32
    %add3A_80 = arith.addi %mul3A_2, %add3A_79 : i32
    %dma_wait3A_81 = arith.constant 1 : i32
    %dma_wait3A_82 = arith.constant 0 : i32
    %dma_wait3A_83 = arith.constant 0 : i32
    %dma_wait3A_84 = tpu.memref_slice %arg6[%rem3A_64, %dma_wait3A_81, %dma_wait3A_82, %dma_wait3A_83] : memref<2x5x80x128xf32, #tpu.memory_space<vmem>> -> memref<1x1x80x128xf32, #tpu.memory_space<vmem>>
    %dma_wait3A_85 = tpu.memref_squeeze %dma_wait3A_84 : memref<1x1x80x128xf32, #tpu.memory_space<vmem>> -> memref<80x128xf32, #tpu.memory_space<vmem>>
    %dma_wait3A_86 = arith.constant 0 : i32
    %dma_wait3A_87 = tpu.memref_slice %arg4[%add3A_80, %dma_wait3A_86] : memref<320000x128xf32, #tpu.memory_space<hbm>> -> memref<80x128xf32, #tpu.memory_space<hbm>>
    %dma_wait3A_88 = arith.constant 0 : i32
    %dma_wait3A_89 = tpu.memref_slice %arg4[%add3A_80, %dma_wait3A_88] : memref<320000x128xf32, #tpu.memory_space<hbm>> -> memref<80x128xf32, #tpu.memory_space<hbm>>
    %dma_wait3A_90 = arith.constant 0 : i32
    %dma_wait3A_91 = arith.constant 0 : i32
    %dma_wait3A_92 = tpu.memref_slice %arg6[%rem3A_64, %dma_wait3A_81, %dma_wait3A_90, %dma_wait3A_91] : memref<2x5x80x128xf32, #tpu.memory_space<vmem>> -> memref<1x1x80x128xf32, #tpu.memory_space<vmem>>
    %dma_wait3A_93 = tpu.memref_squeeze %dma_wait3A_92 : memref<1x1x80x128xf32, #tpu.memory_space<vmem>> -> memref<80x128xf32, #tpu.memory_space<vmem>>
    tpu.wait_dma2 semaphore(%arg8 : memref<!tpu.dma_semaphore, #tpu.memory_space<semaphore_mem>>) src(%dma_wait3A_93 : memref<80x128xf32, #tpu.memory_space<vmem>>) dst(%dma_wait3A_89 : memref<80x128xf32, #tpu.memory_space<hbm>>)
    %add3A_94 = arith.constant 9760 : i32
    %add3A_95 = arith.addi %mul3A_2, %add3A_94 : i32
    %dma_wait3A_96 = arith.constant 2 : i32
    %dma_wait3A_97 = arith.constant 0 : i32
    %dma_wait3A_98 = arith.constant 0 : i32
    %dma_wait3A_99 = tpu.memref_slice %arg6[%rem3A_64, %dma_wait3A_96, %dma_wait3A_97, %dma_wait3A_98] : memref<2x5x80x128xf32, #tpu.memory_space<vmem>> -> memref<1x1x80x128xf32, #tpu.memory_space<vmem>>
    %dma_wait3A_100 = tpu.memref_squeeze %dma_wait3A_99 : memref<1x1x80x128xf32, #tpu.memory_space<vmem>> -> memref<80x128xf32, #tpu.memory_space<vmem>>
    %dma_wait3A_101 = arith.constant 0 : i32
    %dma_wait3A_102 = tpu.memref_slice %arg4[%add3A_95, %dma_wait3A_101] : memref<320000x128xf32, #tpu.memory_space<hbm>> -> memref<80x128xf32, #tpu.memory_space<hbm>>
    %dma_wait3A_103 = arith.constant 0 : i32
    %dma_wait3A_104 = tpu.memref_slice %arg4[%add3A_95, %dma_wait3A_103] : memref<320000x128xf32, #tpu.memory_space<hbm>> -> memref<80x128xf32, #tpu.memory_space<hbm>>
    %dma_wait3A_105 = arith.constant 0 : i32
    %dma_wait3A_106 = arith.constant 0 : i32
    %dma_wait3A_107 = tpu.memref_slice %arg6[%rem3A_64, %dma_wait3A_96, %dma_wait3A_105, %dma_wait3A_106] : memref<2x5x80x128xf32, #tpu.memory_space<vmem>> -> memref<1x1x80x128xf32, #tpu.memory_space<vmem>>
    %dma_wait3A_108 = tpu.memref_squeeze %dma_wait3A_107 : memref<1x1x80x128xf32, #tpu.memory_space<vmem>> -> memref<80x128xf32, #tpu.memory_space<vmem>>
    tpu.wait_dma2 semaphore(%arg8 : memref<!tpu.dma_semaphore, #tpu.memory_space<semaphore_mem>>) src(%dma_wait3A_108 : memref<80x128xf32, #tpu.memory_space<vmem>>) dst(%dma_wait3A_104 : memref<80x128xf32, #tpu.memory_space<hbm>>)
    %add3A_109 = arith.constant 9840 : i32
    %add3A_110 = arith.addi %mul3A_2, %add3A_109 : i32
    %dma_wait3A_111 = arith.constant 3 : i32
    %dma_wait3A_112 = arith.constant 0 : i32
    %dma_wait3A_113 = arith.constant 0 : i32
    %dma_wait3A_114 = tpu.memref_slice %arg6[%rem3A_64, %dma_wait3A_111, %dma_wait3A_112, %dma_wait3A_113] : memref<2x5x80x128xf32, #tpu.memory_space<vmem>> -> memref<1x1x80x128xf32, #tpu.memory_space<vmem>>
    %dma_wait3A_115 = tpu.memref_squeeze %dma_wait3A_114 : memref<1x1x80x128xf32, #tpu.memory_space<vmem>> -> memref<80x128xf32, #tpu.memory_space<vmem>>
    %dma_wait3A_116 = arith.constant 0 : i32
    %dma_wait3A_117 = tpu.memref_slice %arg4[%add3A_110, %dma_wait3A_116] : memref<320000x128xf32, #tpu.memory_space<hbm>> -> memref<80x128xf32, #tpu.memory_space<hbm>>
    %dma_wait3A_118 = arith.constant 0 : i32
    %dma_wait3A_119 = tpu.memref_slice %arg4[%add3A_110, %dma_wait3A_118] : memref<320000x128xf32, #tpu.memory_space<hbm>> -> memref<80x128xf32, #tpu.memory_space<hbm>>
    %dma_wait3A_120 = arith.constant 0 : i32
    %dma_wait3A_121 = arith.constant 0 : i32
    %dma_wait3A_122 = tpu.memref_slice %arg6[%rem3A_64, %dma_wait3A_111, %dma_wait3A_120, %dma_wait3A_121] : memref<2x5x80x128xf32, #tpu.memory_space<vmem>> -> memref<1x1x80x128xf32, #tpu.memory_space<vmem>>
    %dma_wait3A_123 = tpu.memref_squeeze %dma_wait3A_122 : memref<1x1x80x128xf32, #tpu.memory_space<vmem>> -> memref<80x128xf32, #tpu.memory_space<vmem>>
    tpu.wait_dma2 semaphore(%arg8 : memref<!tpu.dma_semaphore, #tpu.memory_space<semaphore_mem>>) src(%dma_wait3A_123 : memref<80x128xf32, #tpu.memory_space<vmem>>) dst(%dma_wait3A_119 : memref<80x128xf32, #tpu.memory_space<hbm>>)
    %add3A_124 = arith.constant 9920 : i32
    %add3A_125 = arith.addi %mul3A_2, %add3A_124 : i32
    %dma_wait3A_126 = arith.constant 4 : i32
    %dma_wait3A_127 = arith.constant 0 : i32
    %dma_wait3A_128 = arith.constant 0 : i32
    %dma_wait3A_129 = tpu.memref_slice %arg6[%rem3A_64, %dma_wait3A_126, %dma_wait3A_127, %dma_wait3A_128] : memref<2x5x80x128xf32, #tpu.memory_space<vmem>> -> memref<1x1x80x128xf32, #tpu.memory_space<vmem>>
    %dma_wait3A_130 = tpu.memref_squeeze %dma_wait3A_129 : memref<1x1x80x128xf32, #tpu.memory_space<vmem>> -> memref<80x128xf32, #tpu.memory_space<vmem>>
    %dma_wait3A_131 = arith.constant 0 : i32
    %dma_wait3A_132 = tpu.memref_slice %arg4[%add3A_125, %dma_wait3A_131] : memref<320000x128xf32, #tpu.memory_space<hbm>> -> memref<80x128xf32, #tpu.memory_space<hbm>>
    %dma_wait3A_133 = arith.constant 0 : i32
    %dma_wait3A_134 = tpu.memref_slice %arg4[%add3A_125, %dma_wait3A_133] : memref<320000x128xf32, #tpu.memory_space<hbm>> -> memref<80x128xf32, #tpu.memory_space<hbm>>
    %dma_wait3A_135 = arith.constant 0 : i32
    %dma_wait3A_136 = arith.constant 0 : i32
    %dma_wait3A_137 = tpu.memref_slice %arg6[%rem3A_64, %dma_wait3A_126, %dma_wait3A_135, %dma_wait3A_136] : memref<2x5x80x128xf32, #tpu.memory_space<vmem>> -> memref<1x1x80x128xf32, #tpu.memory_space<vmem>>
    %dma_wait3A_138 = tpu.memref_squeeze %dma_wait3A_137 : memref<1x1x80x128xf32, #tpu.memory_space<vmem>> -> memref<80x128xf32, #tpu.memory_space<vmem>>
    tpu.wait_dma2 semaphore(%arg8 : memref<!tpu.dma_semaphore, #tpu.memory_space<semaphore_mem>>) src(%dma_wait3A_138 : memref<80x128xf32, #tpu.memory_space<vmem>>) dst(%dma_wait3A_134 : memref<80x128xf32, #tpu.memory_space<hbm>>)
    return
  }
}

module attributes {stable_mosaic.version = 14 : i64} {
  func.func @body(%arg0: i32, %arg1: memref<200x128xf32, #tpu.memory_space<vmem>>, %arg2: memref<6400x128xf32, #tpu.memory_space<vmem>>, %arg3: memref<6400x16xf32, #tpu.memory_space<vmem>>, %arg4: memref<128x256xf32, #tpu.memory_space<vmem>>, %arg5: memref<128x256xf32, #tpu.memory_space<vmem>>, %arg6: memref<16x256xf32, #tpu.memory_space<vmem>>, %arg7: memref<8x256xf32, #tpu.memory_space<vmem>>, %arg8: memref<8x256xf32, #tpu.memory_space<vmem>>, %arg9: memref<8x256xf32, #tpu.memory_space<vmem>>) attributes {dimension_semantics = [#tpu.dimension_semantics<arbitrary>], iteration_bounds = array<i64: 50>, scalar_prefetch = 0 : i64, scratch_operands = 1 : i64, tpu.core_type = #tpu.core_type<tc>, window_params = [{transform_indices = @transform_0, window_bounds = array<i64: 200, 128>}, {transform_indices = @transform_1, window_bounds = array<i64: 6400, 128>}, {transform_indices = @transform_2, window_bounds = array<i64: 6400, 16>}, {pipeline_mode = #tpu.pipeline_mode<synchronous>, transform_indices = @transform_3, window_bounds = array<i64: 128, 256>}, {pipeline_mode = #tpu.pipeline_mode<synchronous>, transform_indices = @transform_4, window_bounds = array<i64: 128, 256>}, {pipeline_mode = #tpu.pipeline_mode<synchronous>, transform_indices = @transform_5, window_bounds = array<i64: 16, 256>}, {pipeline_mode = #tpu.pipeline_mode<synchronous>, transform_indices = @transform_6, window_bounds = array<i64: 8, 256>}, {pipeline_mode = #tpu.pipeline_mode<synchronous>, transform_indices = @transform_7, window_bounds = array<i64: 8, 256>}]} {
    %get3A = arith.constant 0 : index
    %get3A_0 = arith.constant 0 : index
    %get3A_1 = vector.load %arg1[%get3A, %get3A_0] : memref<200x128xf32, #tpu.memory_space<vmem>>, vector<200x128xf32>
    %get3A_2 = arith.constant 0 : index
    %get3A_3 = arith.constant 0 : index
    %get3A_4 = vector.load %arg2[%get3A_2, %get3A_3] : memref<6400x128xf32, #tpu.memory_space<vmem>>, vector<6400x128xf32>
    %get3A_5 = arith.constant 0 : index
    %get3A_6 = arith.constant 0 : index
    %get3A_7 = vector.load %arg3[%get3A_5, %get3A_6] : memref<6400x16xf32, #tpu.memory_space<vmem>>, vector<6400x16xf32>
    %get3A_8 = arith.constant 0 : index
    %get3A_9 = arith.constant 0 : index
    %get3A_10 = vector.load %arg4[%get3A_8, %get3A_9] : memref<128x256xf32, #tpu.memory_space<vmem>>, vector<128x256xf32>
    %get3A_11 = arith.constant 0 : index
    %get3A_12 = arith.constant 0 : index
    %get3A_13 = vector.load %arg5[%get3A_11, %get3A_12] : memref<128x256xf32, #tpu.memory_space<vmem>>, vector<128x256xf32>
    %get3A_14 = arith.constant 0 : index
    %get3A_15 = arith.constant 0 : index
    %get3A_16 = vector.load %arg6[%get3A_14, %get3A_15] : memref<16x256xf32, #tpu.memory_space<vmem>>, vector<16x256xf32>
    %get3A_17 = arith.constant 0 : index
    %get3A_18 = arith.constant 0 : index
    %get3A_19 = vector.load %arg7[%get3A_17, %get3A_18] : memref<8x256xf32, #tpu.memory_space<vmem>>, vector<1x256xf32>
    %dot_general3A = arith.constant dense<0.000000e+00> : vector<200x256xf32>
    %dot_general3A_20 = tpu.matmul %get3A_1, %get3A_10, %dot_general3A {dimension_numbers = #tpu.dot_dimension_numbers<[1], [0], [0], [1], [0, 0, 1, 1], [], []>, transpose_lhs_hint = false} : vector<200x128xf32>, vector<128x256xf32>, vector<200x256xf32> -> vector<200x256xf32>
    %add3A = vector.broadcast %get3A_19 : vector<1x256xf32> to vector<200x256xf32>
    %add3A_21 = arith.addf %dot_general3A_20, %add3A : vector<200x256xf32>
    %dot_general3A_22 = arith.constant dense<0.000000e+00> : vector<6400x256xf32>
    %dot_general3A_23 = tpu.matmul %get3A_4, %get3A_13, %dot_general3A_22 {dimension_numbers = #tpu.dot_dimension_numbers<[1], [0], [0], [1], [0, 0, 1, 1], [], []>, transpose_lhs_hint = false} : vector<6400x128xf32>, vector<128x256xf32>, vector<6400x256xf32> -> vector<6400x256xf32>
    %dot_general3A_24 = arith.constant dense<0.000000e+00> : vector<6400x256xf32>
    %dot_general3A_25 = tpu.matmul %get3A_7, %get3A_16, %dot_general3A_24 {dimension_numbers = #tpu.dot_dimension_numbers<[1], [0], [0], [1], [0, 0, 1, 1], [], []>, transpose_lhs_hint = false} : vector<6400x16xf32>, vector<16x256xf32>, vector<6400x256xf32> -> vector<6400x256xf32>
    %add3A_26 = arith.addf %dot_general3A_23, %dot_general3A_25 : vector<6400x256xf32>
    %reshape3A = vector.shape_cast %add3A_26 : vector<6400x256xf32> to vector<200x32x256xf32>
    %broadcast_in_dim3A = vector.shape_cast %add3A_21 : vector<200x256xf32> to vector<200x1x256xf32>
    %add3A_27 = vector.broadcast %broadcast_in_dim3A : vector<200x1x256xf32> to vector<200x32x256xf32>
    %add3A_28 = arith.addf %reshape3A, %add3A_27 : vector<200x32x256xf32>
    %reshape3A_29 = vector.shape_cast %add3A_28 : vector<200x32x256xf32> to vector<6400x256xf32>
    %eq3A = arith.constant 0 : i32
    %eq3A_30 = arith.cmpi eq, %arg0, %eq3A : i32
    %convert_element_type3A = arith.extui %eq3A_30 : i1 to i32
    %cond3A = arith.constant 0 : i32
    %cond3A_31 = arith.cmpi ne, %convert_element_type3A, %cond3A : i32
    scf.if %cond3A_31 {
      %broadcast_in_dim3A_55 = arith.constant 0.000000e+00 : f32
      %broadcast_in_dim3A_56 = vector.broadcast %broadcast_in_dim3A_55 : f32 to vector<8x256xf32>
      %swap3A_57 = arith.constant 0 : index
      %swap3A_58 = arith.constant 0 : index
      %swap3A_59 = vector.load %arg9[%swap3A_57, %swap3A_58] : memref<8x256xf32, #tpu.memory_space<vmem>>, vector<8x256xf32>
      tpu.vector_store %arg9[%swap3A_57, %swap3A_58], %broadcast_in_dim3A_56 {strides = array<i32>} : memref<8x256xf32, #tpu.memory_space<vmem>>, vector<8x256xf32>,
    } else {
    }
    %get3A_32 = arith.constant 0 : index
    %get3A_33 = arith.constant 0 : index
    %get3A_34 = vector.load %arg9[%get3A_32, %get3A_33] : memref<8x256xf32, #tpu.memory_space<vmem>>, vector<1x256xf32>
    %reduce_sum3A = arith.constant dense<0.000000e+00> : vector<256xf32>
    %reduce_sum3A_35 = vector.multi_reduction <add>, %reshape3A_29, %reduce_sum3A [0] : vector<6400x256xf32> to vector<256xf32>
    %broadcast_in_dim3A_36 = vector.shape_cast %reduce_sum3A_35 : vector<256xf32> to vector<1x256xf32>
    %add3A_37 = arith.addf %get3A_34, %broadcast_in_dim3A_36 : vector<1x256xf32>
    %swap3A = arith.constant 0 : index
    %swap3A_38 = arith.constant 0 : index
    %swap3A_39 = vector.load %arg9[%swap3A, %swap3A_38] : memref<8x256xf32, #tpu.memory_space<vmem>>, vector<1x256xf32>
    tpu.vector_store %arg9[%swap3A, %swap3A_38], %add3A_37 {strides = array<i32>} : memref<8x256xf32, #tpu.memory_space<vmem>>, vector<1x256xf32>,
    %get3A_40 = arith.constant 1 : index
    %get3A_41 = arith.constant 0 : index
    %get3A_42 = vector.load %arg9[%get3A_40, %get3A_41] : memref<8x256xf32, #tpu.memory_space<vmem>>, vector<1x256xf32>
    %mul3A = arith.mulf %reshape3A_29, %reshape3A_29 : vector<6400x256xf32>
    %reduce_sum3A_43 = arith.constant dense<0.000000e+00> : vector<256xf32>
    %reduce_sum3A_44 = vector.multi_reduction <add>, %mul3A, %reduce_sum3A_43 [0] : vector<6400x256xf32> to vector<256xf32>
    %broadcast_in_dim3A_45 = vector.shape_cast %reduce_sum3A_44 : vector<256xf32> to vector<1x256xf32>
    %add3A_46 = arith.addf %get3A_42, %broadcast_in_dim3A_45 : vector<1x256xf32>
    %swap3A_47 = arith.constant 1 : index
    %swap3A_48 = arith.constant 0 : index
    %swap3A_49 = vector.load %arg9[%swap3A_47, %swap3A_48] : memref<8x256xf32, #tpu.memory_space<vmem>>, vector<1x256xf32>
    tpu.vector_store %arg9[%swap3A_47, %swap3A_48], %add3A_46 {strides = array<i32>} : memref<8x256xf32, #tpu.memory_space<vmem>>, vector<1x256xf32>,
    %eq3A_50 = arith.constant 49 : i32
    %eq3A_51 = arith.cmpi eq, %arg0, %eq3A_50 : i32
    %convert_element_type3A_52 = arith.extui %eq3A_51 : i1 to i32
    %cond3A_53 = arith.constant 0 : i32
    %cond3A_54 = arith.cmpi ne, %convert_element_type3A_52, %cond3A_53 : i32
    scf.if %cond3A_54 {
      %get3A_55 = arith.constant 0 : index
      %get3A_56 = arith.constant 0 : index
      %get3A_57 = vector.load %arg9[%get3A_55, %get3A_56] : memref<8x256xf32, #tpu.memory_space<vmem>>, vector<8x256xf32>
      %swap3A_58 = arith.constant 0 : index
      %swap3A_59 = arith.constant 0 : index
      %swap3A_60 = vector.load %arg8[%swap3A_58, %swap3A_59] : memref<8x256xf32, #tpu.memory_space<vmem>>, vector<8x256xf32>
      tpu.vector_store %arg8[%swap3A_58, %swap3A_59], %get3A_57 {strides = array<i32>} : memref<8x256xf32, #tpu.memory_space<vmem>>, vector<8x256xf32>,
    } else {
    }
    return
  }
  func.func @transform_0(%arg0: i32) -> (i32, i32) {
    %c0_i32 = arith.constant 0 : i32
    %c0_i32_0 = arith.constant 0 : i32
    return %arg0, %c0_i32 : i32, i32
  }
  func.func @transform_1(%arg0: i32) -> (i32, i32) {
    %c0_i32 = arith.constant 0 : i32
    %c0_i32_0 = arith.constant 0 : i32
    return %arg0, %c0_i32 : i32, i32
  }
  func.func @transform_2(%arg0: i32) -> (i32, i32) {
    %c0_i32 = arith.constant 0 : i32
    %c0_i32_0 = arith.constant 0 : i32
    return %arg0, %c0_i32 : i32, i32
  }
  func.func @transform_3(%arg0: i32) -> (i32, i32) {
    %c0_i32 = arith.constant 0 : i32
    %c0_i32_0 = arith.constant 0 : i32
    %c0_i32_1 = arith.constant 0 : i32
    return %c0_i32, %c0_i32_0 : i32, i32
  }
  func.func @transform_4(%arg0: i32) -> (i32, i32) {
    %c0_i32 = arith.constant 0 : i32
    %c0_i32_0 = arith.constant 0 : i32
    %c0_i32_1 = arith.constant 0 : i32
    return %c0_i32, %c0_i32_0 : i32, i32
  }
  func.func @transform_5(%arg0: i32) -> (i32, i32) {
    %c0_i32 = arith.constant 0 : i32
    %c0_i32_0 = arith.constant 0 : i32
    %c0_i32_1 = arith.constant 0 : i32
    return %c0_i32, %c0_i32_0 : i32, i32
  }
  func.func @transform_6(%arg0: i32) -> (i32, i32) {
    %c0_i32 = arith.constant 0 : i32
    %c0_i32_0 = arith.constant 0 : i32
    %c0_i32_1 = arith.constant 0 : i32
    return %c0_i32, %c0_i32_0 : i32, i32
  }
  func.func @transform_7(%arg0: i32) -> (i32, i32) {
    %c0_i32 = arith.constant 0 : i32
    %c0_i32_0 = arith.constant 0 : i32
    %c0_i32_1 = arith.constant 0 : i32
    return %c0_i32, %c0_i32_0 : i32, i32
  }
}

module attributes {stable_mosaic.version = 14 : i64} {
  func.func @body(%arg0: i32, %arg1: memref<200x128xf32, #tpu.memory_space<vmem>>, %arg2: memref<6400x128xf32, #tpu.memory_space<vmem>>, %arg3: memref<6400x16xf32, #tpu.memory_space<vmem>>, %arg4: memref<128x256xf32, #tpu.memory_space<vmem>>, %arg5: memref<128x256xf32, #tpu.memory_space<vmem>>, %arg6: memref<16x256xf32, #tpu.memory_space<vmem>>, %arg7: memref<8x256xf32, #tpu.memory_space<vmem>>, %arg8: memref<8x256xf32, #tpu.memory_space<vmem>>, %arg9: memref<200x128xf32, #tpu.memory_space<vmem>>, %arg10: memref<8x128xf32, #tpu.memory_space<vmem>>, %arg11: memref<8x128xf32, #tpu.memory_space<vmem>>) attributes {dimension_semantics = [#tpu.dimension_semantics<arbitrary>], iteration_bounds = array<i64: 50>, scalar_prefetch = 0 : i64, scratch_operands = 1 : i64, tpu.core_type = #tpu.core_type<tc>, window_params = [{transform_indices = @transform_0, window_bounds = array<i64: 200, 128>}, {transform_indices = @transform_1, window_bounds = array<i64: 6400, 128>}, {transform_indices = @transform_2, window_bounds = array<i64: 6400, 16>}, {pipeline_mode = #tpu.pipeline_mode<synchronous>, transform_indices = @transform_3, window_bounds = array<i64: 128, 256>}, {pipeline_mode = #tpu.pipeline_mode<synchronous>, transform_indices = @transform_4, window_bounds = array<i64: 128, 256>}, {pipeline_mode = #tpu.pipeline_mode<synchronous>, transform_indices = @transform_5, window_bounds = array<i64: 16, 256>}, {pipeline_mode = #tpu.pipeline_mode<synchronous>, transform_indices = @transform_6, window_bounds = array<i64: 8, 256>}, {pipeline_mode = #tpu.pipeline_mode<synchronous>, transform_indices = @transform_7, window_bounds = array<i64: 8, 256>}, {transform_indices = @transform_8, window_bounds = array<i64: 200, 128>}, {pipeline_mode = #tpu.pipeline_mode<synchronous>, transform_indices = @transform_9, window_bounds = array<i64: 8, 128>}]} {
    %get3A = arith.constant 0 : index
    %get3A_0 = arith.constant 0 : index
    %get3A_1 = vector.load %arg8[%get3A, %get3A_0] : memref<8x256xf32, #tpu.memory_space<vmem>>, vector<1x256xf32>
    %mul3A = arith.constant 3.125000e-06 : f32
    %mul3A_2 = vector.broadcast %mul3A : f32 to vector<1x256xf32>
    %mul3A_3 = arith.mulf %get3A_1, %mul3A_2 : vector<1x256xf32>
    %get3A_4 = arith.constant 1 : index
    %get3A_5 = arith.constant 0 : index
    %get3A_6 = vector.load %arg8[%get3A_4, %get3A_5] : memref<8x256xf32, #tpu.memory_space<vmem>>, vector<1x256xf32>
    %mul3A_7 = arith.constant 3.125000e-06 : f32
    %mul3A_8 = vector.broadcast %mul3A_7 : f32 to vector<1x256xf32>
    %mul3A_9 = arith.mulf %get3A_6, %mul3A_8 : vector<1x256xf32>
    %mul3A_10 = arith.mulf %mul3A_3, %mul3A_3 : vector<1x256xf32>
    %sub3A = arith.subf %mul3A_9, %mul3A_10 : vector<1x256xf32>
    %get3A_11 = arith.constant 1 : index
    %get3A_12 = arith.constant 0 : index
    %get3A_13 = vector.load %arg7[%get3A_11, %get3A_12] : memref<8x256xf32, #tpu.memory_space<vmem>>, vector<1x256xf32>
    %add3A = arith.constant 9.99999974E-6 : f32
    %add3A_14 = vector.broadcast %add3A : f32 to vector<1x256xf32>
    %add3A_15 = arith.addf %sub3A, %add3A_14 : vector<1x256xf32>
    %rsqrt3A = math.rsqrt %add3A_15 : vector<1x256xf32>
    %mul3A_16 = arith.mulf %get3A_13, %rsqrt3A : vector<1x256xf32>
    %get3A_17 = arith.constant 2 : index
    %get3A_18 = arith.constant 0 : index
    %get3A_19 = vector.load %arg7[%get3A_17, %get3A_18] : memref<8x256xf32, #tpu.memory_space<vmem>>, vector<1x256xf32>
    %mul3A_20 = arith.mulf %mul3A_3, %mul3A_16 : vector<1x256xf32>
    %sub3A_21 = arith.subf %get3A_19, %mul3A_20 : vector<1x256xf32>
    %get3A_22 = arith.constant 0 : index
    %get3A_23 = arith.constant 0 : index
    %get3A_24 = vector.load %arg1[%get3A_22, %get3A_23] : memref<200x128xf32, #tpu.memory_space<vmem>>, vector<200x128xf32>
    %get3A_25 = arith.constant 0 : index
    %get3A_26 = arith.constant 0 : index
    %get3A_27 = vector.load %arg2[%get3A_25, %get3A_26] : memref<6400x128xf32, #tpu.memory_space<vmem>>, vector<6400x128xf32>
    %get3A_28 = arith.constant 0 : index
    %get3A_29 = arith.constant 0 : index
    %get3A_30 = vector.load %arg3[%get3A_28, %get3A_29] : memref<6400x16xf32, #tpu.memory_space<vmem>>, vector<6400x16xf32>
    %get3A_31 = arith.constant 0 : index
    %get3A_32 = arith.constant 0 : index
    %get3A_33 = vector.load %arg4[%get3A_31, %get3A_32] : memref<128x256xf32, #tpu.memory_space<vmem>>, vector<128x256xf32>
    %mul3A_34 = vector.broadcast %mul3A_16 : vector<1x256xf32> to vector<128x256xf32>
    %mul3A_35 = arith.mulf %get3A_33, %mul3A_34 : vector<128x256xf32>
    %get3A_36 = arith.constant 0 : index
    %get3A_37 = arith.constant 0 : index
    %get3A_38 = vector.load %arg5[%get3A_36, %get3A_37] : memref<128x256xf32, #tpu.memory_space<vmem>>, vector<128x256xf32>
    %mul3A_39 = vector.broadcast %mul3A_16 : vector<1x256xf32> to vector<128x256xf32>
    %mul3A_40 = arith.mulf %get3A_38, %mul3A_39 : vector<128x256xf32>
    %get3A_41 = arith.constant 0 : index
    %get3A_42 = arith.constant 0 : index
    %get3A_43 = vector.load %arg6[%get3A_41, %get3A_42] : memref<16x256xf32, #tpu.memory_space<vmem>>, vector<16x256xf32>
    %mul3A_44 = vector.broadcast %mul3A_16 : vector<1x256xf32> to vector<16x256xf32>
    %mul3A_45 = arith.mulf %get3A_43, %mul3A_44 : vector<16x256xf32>
    %get3A_46 = arith.constant 0 : index
    %get3A_47 = arith.constant 0 : index
    %get3A_48 = vector.load %arg7[%get3A_46, %get3A_47] : memref<8x256xf32, #tpu.memory_space<vmem>>, vector<1x256xf32>
    %mul3A_49 = arith.mulf %get3A_48, %mul3A_16 : vector<1x256xf32>
    %add3A_50 = arith.addf %mul3A_49, %sub3A_21 : vector<1x256xf32>
    %dot_general3A = arith.constant dense<0.000000e+00> : vector<200x256xf32>
    %dot_general3A_51 = tpu.matmul %get3A_24, %mul3A_35, %dot_general3A {dimension_numbers = #tpu.dot_dimension_numbers<[1], [0], [0], [1], [0, 0, 1, 1], [], []>, transpose_lhs_hint = false} : vector<200x128xf32>, vector<128x256xf32>, vector<200x256xf32> -> vector<200x256xf32>
    %add3A_52 = vector.broadcast %add3A_50 : vector<1x256xf32> to vector<200x256xf32>
    %add3A_53 = arith.addf %dot_general3A_51, %add3A_52 : vector<200x256xf32>
    %dot_general3A_54 = arith.constant dense<0.000000e+00> : vector<6400x256xf32>
    %dot_general3A_55 = tpu.matmul %get3A_27, %mul3A_40, %dot_general3A_54 {dimension_numbers = #tpu.dot_dimension_numbers<[1], [0], [0], [1], [0, 0, 1, 1], [], []>, transpose_lhs_hint = false} : vector<6400x128xf32>, vector<128x256xf32>, vector<6400x256xf32> -> vector<6400x256xf32>
    %dot_general3A_56 = arith.constant dense<0.000000e+00> : vector<6400x256xf32>
    %dot_general3A_57 = tpu.matmul %get3A_30, %mul3A_45, %dot_general3A_56 {dimension_numbers = #tpu.dot_dimension_numbers<[1], [0], [0], [1], [0, 0, 1, 1], [], []>, transpose_lhs_hint = false} : vector<6400x16xf32>, vector<16x256xf32>, vector<6400x256xf32> -> vector<6400x256xf32>
    %add3A_58 = arith.addf %dot_general3A_55, %dot_general3A_57 : vector<6400x256xf32>
    %reshape3A = vector.shape_cast %add3A_58 : vector<6400x256xf32> to vector<200x32x256xf32>
    %broadcast_in_dim3A = vector.shape_cast %add3A_53 : vector<200x256xf32> to vector<200x1x256xf32>
    %add3A_59 = vector.broadcast %broadcast_in_dim3A : vector<200x1x256xf32> to vector<200x32x256xf32>
    %add3A_60 = arith.addf %reshape3A, %add3A_59 : vector<200x32x256xf32>
    %reshape3A_61 = vector.shape_cast %add3A_60 : vector<200x32x256xf32> to vector<6400x256xf32>
    %slice3A = vector.extract_strided_slice %reshape3A_61 {offsets = [0, 0], sizes = [6400, 128], strides = [1, 1]} : vector<6400x256xf32> to vector<6400x128xf32>
    %mul3A_62 = arith.constant 5.000000e-01 : f32
    %mul3A_63 = vector.broadcast %mul3A_62 : f32 to vector<6400x128xf32>
    %mul3A_64 = arith.mulf %mul3A_63, %slice3A : vector<6400x128xf32>
    %tanh3A = math.tanh %mul3A_64 : vector<6400x128xf32>
    %mul3A_65 = arith.constant 5.000000e-01 : f32
    %mul3A_66 = vector.broadcast %mul3A_65 : f32 to vector<6400x128xf32>
    %mul3A_67 = arith.mulf %mul3A_66, %tanh3A : vector<6400x128xf32>
    %add3A_68 = arith.constant 5.000000e-01 : f32
    %add3A_69 = vector.broadcast %add3A_68 : f32 to vector<6400x128xf32>
    %add3A_70 = arith.addf %mul3A_67, %add3A_69 : vector<6400x128xf32>
    %slice3A_71 = vector.extract_strided_slice %reshape3A_61 {offsets = [0, 128], sizes = [6400, 128], strides = [1, 1]} : vector<6400x256xf32> to vector<6400x128xf32>
    %exp3A = math.exp %slice3A_71 : vector<6400x128xf32>
    %add3A_72 = arith.constant 1.000000e+00 : f32
    %add3A_73 = vector.broadcast %add3A_72 : f32 to vector<6400x128xf32>
    %add3A_74 = arith.addf %add3A_73, %exp3A : vector<6400x128xf32>
    %log3A = math.log %add3A_74 : vector<6400x128xf32>
    %mul3A_75 = arith.mulf %add3A_70, %log3A : vector<6400x128xf32>
    %reshape3A_76 = vector.shape_cast %mul3A_75 : vector<6400x128xf32> to vector<200x32x128xf32>
    %reduce_sum3A = arith.constant dense<0.000000e+00> : vector<200x128xf32>
    %reduce_sum3A_77 = vector.multi_reduction <add>, %reshape3A_76, %reduce_sum3A [1] : vector<200x32x128xf32> to vector<200x128xf32>
    %swap3A = arith.constant 0 : index
    %swap3A_78 = arith.constant 0 : index
    %swap3A_79 = vector.load %arg9[%swap3A, %swap3A_78] : memref<200x128xf32, #tpu.memory_space<vmem>>, vector<200x128xf32>
    tpu.vector_store %arg9[%swap3A, %swap3A_78], %reduce_sum3A_77 {strides = array<i32>} : memref<200x128xf32, #tpu.memory_space<vmem>>, vector<200x128xf32>,
    %eq3A = arith.constant 0 : i32
    %eq3A_80 = arith.cmpi eq, %arg0, %eq3A : i32
    %convert_element_type3A = arith.extui %eq3A_80 : i1 to i32
    %cond3A = arith.constant 0 : i32
    %cond3A_81 = arith.cmpi ne, %convert_element_type3A, %cond3A : i32
    scf.if %cond3A_81 {
      %broadcast_in_dim3A_108 = arith.constant 0.000000e+00 : f32
      %broadcast_in_dim3A_109 = vector.broadcast %broadcast_in_dim3A_108 : f32 to vector<8x128xf32>
      %swap3A_110 = arith.constant 0 : index
      %swap3A_111 = arith.constant 0 : index
      %swap3A_112 = vector.load %arg11[%swap3A_110, %swap3A_111] : memref<8x128xf32, #tpu.memory_space<vmem>>, vector<8x128xf32>
      tpu.vector_store %arg11[%swap3A_110, %swap3A_111], %broadcast_in_dim3A_109 {strides = array<i32>} : memref<8x128xf32, #tpu.memory_space<vmem>>, vector<8x128xf32>,
    } else {
    }
    %get3A_82 = arith.constant 0 : index
    %get3A_83 = arith.constant 0 : index
    %get3A_84 = vector.load %arg11[%get3A_82, %get3A_83] : memref<8x128xf32, #tpu.memory_space<vmem>>, vector<1x128xf32>
    %reduce_sum3A_85 = arith.constant dense<0.000000e+00> : vector<128xf32>
    %reduce_sum3A_86 = vector.multi_reduction <add>, %reduce_sum3A_77, %reduce_sum3A_85 [0] : vector<200x128xf32> to vector<128xf32>
    %broadcast_in_dim3A_87 = vector.shape_cast %reduce_sum3A_86 : vector<128xf32> to vector<1x128xf32>
    %add3A_88 = arith.addf %get3A_84, %broadcast_in_dim3A_87 : vector<1x128xf32>
    %swap3A_89 = arith.constant 0 : index
    %swap3A_90 = arith.constant 0 : index
    %swap3A_91 = vector.load %arg11[%swap3A_89, %swap3A_90] : memref<8x128xf32, #tpu.memory_space<vmem>>, vector<1x128xf32>
    tpu.vector_store %arg11[%swap3A_89, %swap3A_90], %add3A_88 {strides = array<i32>} : memref<8x128xf32, #tpu.memory_space<vmem>>, vector<1x128xf32>,
    %get3A_92 = arith.constant 1 : index
    %get3A_93 = arith.constant 0 : index
    %get3A_94 = vector.load %arg11[%get3A_92, %get3A_93] : memref<8x128xf32, #tpu.memory_space<vmem>>, vector<1x128xf32>
    %mul3A_95 = arith.mulf %reduce_sum3A_77, %reduce_sum3A_77 : vector<200x128xf32>
    %reduce_sum3A_96 = arith.constant dense<0.000000e+00> : vector<128xf32>
    %reduce_sum3A_97 = vector.multi_reduction <add>, %mul3A_95, %reduce_sum3A_96 [0] : vector<200x128xf32> to vector<128xf32>
    %broadcast_in_dim3A_98 = vector.shape_cast %reduce_sum3A_97 : vector<128xf32> to vector<1x128xf32>
    %add3A_99 = arith.addf %get3A_94, %broadcast_in_dim3A_98 : vector<1x128xf32>
    %swap3A_100 = arith.constant 1 : index
    %swap3A_101 = arith.constant 0 : index
    %swap3A_102 = vector.load %arg11[%swap3A_100, %swap3A_101] : memref<8x128xf32, #tpu.memory_space<vmem>>, vector<1x128xf32>
    tpu.vector_store %arg11[%swap3A_100, %swap3A_101], %add3A_99 {strides = array<i32>} : memref<8x128xf32, #tpu.memory_space<vmem>>, vector<1x128xf32>,
    %eq3A_103 = arith.constant 49 : i32
    %eq3A_104 = arith.cmpi eq, %arg0, %eq3A_103 : i32
    %convert_element_type3A_105 = arith.extui %eq3A_104 : i1 to i32
    %cond3A_106 = arith.constant 0 : i32
    %cond3A_107 = arith.cmpi ne, %convert_element_type3A_105, %cond3A_106 : i32
    scf.if %cond3A_107 {
      %get3A_108 = arith.constant 0 : index
      %get3A_109 = arith.constant 0 : index
      %get3A_110 = vector.load %arg11[%get3A_108, %get3A_109] : memref<8x128xf32, #tpu.memory_space<vmem>>, vector<8x128xf32>
      %swap3A_111 = arith.constant 0 : index
      %swap3A_112 = arith.constant 0 : index
      %swap3A_113 = vector.load %arg10[%swap3A_111, %swap3A_112] : memref<8x128xf32, #tpu.memory_space<vmem>>, vector<8x128xf32>
      tpu.vector_store %arg10[%swap3A_111, %swap3A_112], %get3A_110 {strides = array<i32>} : memref<8x128xf32, #tpu.memory_space<vmem>>, vector<8x128xf32>,
    } else {
    }
    return
  }
  func.func @transform_0(%arg0: i32) -> (i32, i32) {
    %c0_i32 = arith.constant 0 : i32
    %c0_i32_0 = arith.constant 0 : i32
    return %arg0, %c0_i32 : i32, i32
  }
  func.func @transform_1(%arg0: i32) -> (i32, i32) {
    %c0_i32 = arith.constant 0 : i32
    %c0_i32_0 = arith.constant 0 : i32
    return %arg0, %c0_i32 : i32, i32
  }
  func.func @transform_2(%arg0: i32) -> (i32, i32) {
    %c0_i32 = arith.constant 0 : i32
    %c0_i32_0 = arith.constant 0 : i32
    return %arg0, %c0_i32 : i32, i32
  }
  func.func @transform_3(%arg0: i32) -> (i32, i32) {
    %c0_i32 = arith.constant 0 : i32
    %c0_i32_0 = arith.constant 0 : i32
    %c0_i32_1 = arith.constant 0 : i32
    return %c0_i32, %c0_i32_0 : i32, i32
  }
  func.func @transform_4(%arg0: i32) -> (i32, i32) {
    %c0_i32 = arith.constant 0 : i32
    %c0_i32_0 = arith.constant 0 : i32
    %c0_i32_1 = arith.constant 0 : i32
    return %c0_i32, %c0_i32_0 : i32, i32
  }
  func.func @transform_5(%arg0: i32) -> (i32, i32) {
    %c0_i32 = arith.constant 0 : i32
    %c0_i32_0 = arith.constant 0 : i32
    %c0_i32_1 = arith.constant 0 : i32
    return %c0_i32, %c0_i32_0 : i32, i32
  }
  func.func @transform_6(%arg0: i32) -> (i32, i32) {
    %c0_i32 = arith.constant 0 : i32
    %c0_i32_0 = arith.constant 0 : i32
    %c0_i32_1 = arith.constant 0 : i32
    return %c0_i32, %c0_i32_0 : i32, i32
  }
  func.func @transform_7(%arg0: i32) -> (i32, i32) {
    %c0_i32 = arith.constant 0 : i32
    %c0_i32_0 = arith.constant 0 : i32
    %c0_i32_1 = arith.constant 0 : i32
    return %c0_i32, %c0_i32_0 : i32, i32
  }
  func.func @transform_8(%arg0: i32) -> (i32, i32) {
    %c0_i32 = arith.constant 0 : i32
    %c0_i32_0 = arith.constant 0 : i32
    return %arg0, %c0_i32 : i32, i32
  }
  func.func @transform_9(%arg0: i32) -> (i32, i32) {
    %c0_i32 = arith.constant 0 : i32
    %c0_i32_0 = arith.constant 0 : i32
    %c0_i32_1 = arith.constant 0 : i32
    return %c0_i32, %c0_i32_0 : i32, i32
  }
}

module attributes {stable_mosaic.version = 14 : i64} {
  func.func @body(%arg0: i32, %arg1: memref<1000x128xf32, #tpu.memory_space<vmem>>, %arg2: memref<1000x128xf32, #tpu.memory_space<vmem>>, %arg3: memref<8x128xf32, #tpu.memory_space<vmem>>, %arg4: memref<8x128xf32, #tpu.memory_space<vmem>>, %arg5: memref<1000x128xf32, #tpu.memory_space<vmem>>) attributes {dimension_semantics = [#tpu.dimension_semantics<arbitrary>], iteration_bounds = array<i64: 10>, scalar_prefetch = 0 : i64, scratch_operands = 0 : i64, tpu.core_type = #tpu.core_type<tc>, window_params = [{transform_indices = @transform_0, window_bounds = array<i64: 1000, 128>}, {transform_indices = @transform_1, window_bounds = array<i64: 1000, 128>}, {pipeline_mode = #tpu.pipeline_mode<synchronous>, transform_indices = @transform_2, window_bounds = array<i64: 8, 128>}, {pipeline_mode = #tpu.pipeline_mode<synchronous>, transform_indices = @transform_3, window_bounds = array<i64: 8, 128>}, {transform_indices = @transform_4, window_bounds = array<i64: 1000, 128>}]} {
    %get3A = arith.constant 0 : index
    %get3A_0 = arith.constant 0 : index
    %get3A_1 = vector.load %arg3[%get3A, %get3A_0] : memref<8x128xf32, #tpu.memory_space<vmem>>, vector<1x128xf32>
    %mul3A = arith.constant 9.99999974E-5 : f32
    %mul3A_2 = vector.broadcast %mul3A : f32 to vector<1x128xf32>
    %mul3A_3 = arith.mulf %get3A_1, %mul3A_2 : vector<1x128xf32>
    %get3A_4 = arith.constant 1 : index
    %get3A_5 = arith.constant 0 : index
    %get3A_6 = vector.load %arg3[%get3A_4, %get3A_5] : memref<8x128xf32, #tpu.memory_space<vmem>>, vector<1x128xf32>
    %mul3A_7 = arith.constant 9.99999974E-5 : f32
    %mul3A_8 = vector.broadcast %mul3A_7 : f32 to vector<1x128xf32>
    %mul3A_9 = arith.mulf %get3A_6, %mul3A_8 : vector<1x128xf32>
    %mul3A_10 = arith.mulf %mul3A_3, %mul3A_3 : vector<1x128xf32>
    %sub3A = arith.subf %mul3A_9, %mul3A_10 : vector<1x128xf32>
    %get3A_11 = arith.constant 0 : index
    %get3A_12 = arith.constant 0 : index
    %get3A_13 = vector.load %arg4[%get3A_11, %get3A_12] : memref<8x128xf32, #tpu.memory_space<vmem>>, vector<1x128xf32>
    %add3A = arith.constant 9.99999974E-6 : f32
    %add3A_14 = vector.broadcast %add3A : f32 to vector<1x128xf32>
    %add3A_15 = arith.addf %sub3A, %add3A_14 : vector<1x128xf32>
    %rsqrt3A = math.rsqrt %add3A_15 : vector<1x128xf32>
    %mul3A_16 = arith.mulf %get3A_13, %rsqrt3A : vector<1x128xf32>
    %get3A_17 = arith.constant 1 : index
    %get3A_18 = arith.constant 0 : index
    %get3A_19 = vector.load %arg4[%get3A_17, %get3A_18] : memref<8x128xf32, #tpu.memory_space<vmem>>, vector<1x128xf32>
    %mul3A_20 = arith.mulf %mul3A_3, %mul3A_16 : vector<1x128xf32>
    %sub3A_21 = arith.subf %get3A_19, %mul3A_20 : vector<1x128xf32>
    %get3A_22 = arith.constant 0 : index
    %get3A_23 = arith.constant 0 : index
    %get3A_24 = vector.load %arg1[%get3A_22, %get3A_23] : memref<1000x128xf32, #tpu.memory_space<vmem>>, vector<1000x128xf32>
    %get3A_25 = arith.constant 0 : index
    %get3A_26 = arith.constant 0 : index
    %get3A_27 = vector.load %arg2[%get3A_25, %get3A_26] : memref<1000x128xf32, #tpu.memory_space<vmem>>, vector<1000x128xf32>
    %mul3A_28 = vector.broadcast %mul3A_16 : vector<1x128xf32> to vector<1000x128xf32>
    %mul3A_29 = arith.mulf %get3A_27, %mul3A_28 : vector<1000x128xf32>
    %add3A_30 = arith.addf %get3A_24, %mul3A_29 : vector<1000x128xf32>
    %add3A_31 = vector.broadcast %sub3A_21 : vector<1x128xf32> to vector<1000x128xf32>
    %add3A_32 = arith.addf %add3A_30, %add3A_31 : vector<1000x128xf32>
    %exp3A = math.exp %add3A_32 : vector<1000x128xf32>
    %add3A_33 = arith.constant 1.000000e+00 : f32
    %add3A_34 = vector.broadcast %add3A_33 : f32 to vector<1000x128xf32>
    %add3A_35 = arith.addf %add3A_34, %exp3A : vector<1000x128xf32>
    %log3A = math.log %add3A_35 : vector<1000x128xf32>
    %swap3A = arith.constant 0 : index
    %swap3A_36 = arith.constant 0 : index
    %swap3A_37 = vector.load %arg5[%swap3A, %swap3A_36] : memref<1000x128xf32, #tpu.memory_space<vmem>>, vector<1000x128xf32>
    tpu.vector_store %arg5[%swap3A, %swap3A_36], %log3A {strides = array<i32>} : memref<1000x128xf32, #tpu.memory_space<vmem>>, vector<1000x128xf32>,
    return
  }
  func.func @transform_0(%arg0: i32) -> (i32, i32) {
    %c0_i32 = arith.constant 0 : i32
    %c0_i32_0 = arith.constant 0 : i32
    return %arg0, %c0_i32 : i32, i32
  }
  func.func @transform_1(%arg0: i32) -> (i32, i32) {
    %c0_i32 = arith.constant 0 : i32
    %c0_i32_0 = arith.constant 0 : i32
    return %arg0, %c0_i32 : i32, i32
  }
  func.func @transform_2(%arg0: i32) -> (i32, i32) {
    %c0_i32 = arith.constant 0 : i32
    %c0_i32_0 = arith.constant 0 : i32
    %c0_i32_1 = arith.constant 0 : i32
    return %c0_i32, %c0_i32_0 : i32, i32
  }
  func.func @transform_3(%arg0: i32) -> (i32, i32) {
    %c0_i32 = arith.constant 0 : i32
    %c0_i32_0 = arith.constant 0 : i32
    %c0_i32_1 = arith.constant 0 : i32
    return %c0_i32, %c0_i32_0 : i32, i32
  }
  func.func @transform_4(%arg0: i32) -> (i32, i32) {
    %c0_i32 = arith.constant 0 : i32
    %c0_i32_0 = arith.constant 0 : i32
    return %arg0, %c0_i32 : i32, i32
  }
}

</mosaic_0001>

<sc_bundles>
// kernel: kernel.6.cloned.1.call-start
scs
__scs_entry_jumppad:
0x0: {  	(pc) =	sbr.rel $0x88, $3  }
0x1: {  	(tag) =	ssettag $0x0;
	lr =	simm.s32 $0x1  }
0x2: {  	[smem:$0x3F98] =	sst lr;
	_ =	strace $0xD0000000  }
0x3: {  	_ = 	snop  }
0x4: {  	_ = 	snop  }
0x5: {  	_ = 	snop  }
0x6: {  	_ = 	snop  }
0x7: {  	_ = 	snop  }
__scs_overlays_trampoline_lowered:
0x8: {  	[smem:$0x3FA7] =	sst s0  }
0x9: {  	[smem:$0x3FA8] =	sst s1  }
0xa: {  	[smem:$0x3FA9] =	sst s2  }
0xb: {  	[smem:$0x3FAA] =	sst s3  }
0xc: {  	[smem:$0x3FAB] =	sst s4  }
0xd: {  	[smem:$0x3FAC] =	sst s5  }
0xe: {  	[smem:$0x3FAD] =	sst s6  }
0xf: {  	[smem:$0x3FAE] =	sst s7  }
0x10: {  	[smem:$0x3FAF] =	sst s8  }
0x11: {  	[smem:$0x3FB0] =	sst s9;
	s0 =	simm.s32 @!p0 $0x0  }
0x12: {  	s1 =	sld [smem:$0x3F96];
	s0 =	simm.s32 @p0 $0x1  }
0x13: {  	[smem:$0x3FB1] =	sst s0;
	s0 =	simm.s32 @!p1 $0x0  }
0x14: {  	s2 =	sld [smem:$0x3F95];
	s0 =	simm.s32 @p1 $0x1  }
0x15: {  	[smem:$0x3FB2] =	sst s0;
	s0 =	simm.s32 @!p2 $0x0  }
0x16: {  	s3 =	sld [smem:$0x3FDB];
	s0 =	simm.s32 @p2 $0x1  }
0x17: {  	s4 =	simm.s32 $0x1BF5;
	[smem:$0x3FB4] =	sst s0  }
0x18: {  	s0 =	sld [smem:$0x3F97];
	_ =	swait.ge [sflag:s4], $0x0  }
0x19: {  	s7 =	sld [smem:$0x3F98]  }
0x1a: {  	s8 =	sadd.s32 $0xFFFFE003, lr  }
0x1b: {  	s9 =	sadd.s32 $0xFFFFFEF7, lr;
	s5 =	simm.s32 $0xFFFFFFFF;
	p2 =	slt.u32 s8, $0xFFFFF086  }
0x1c: {  	p1 =	slt.u32 s9, $0xF7A;
	s5 =	simm.s32 @!p2 $0x0  }
0x1d: {  	s5 =	simm.s32 @p1 $0x1;
	p0 =	seq.s32 s7, s2  }
0x1e: {  	s7 =	smul.u32 @!p0 $0xF7A, s2;
	p2 =	seq.s32 @!p0 s5, $0x0  }
0x1f: {  	s9 =	smul.u32 $0xF7A, s1;
	s8 =	simm.s32 @!p0 $0x1BF5;
	p2 =	por !p2, p0  }
0x20: {  	[sflag:s8] =	ssyncset.s32 @!p0 $0xFFFFF086;
	s6 =	sadd.s32 @!p0 s3, s7;
	s7 =	simm.s32 @!p0 $0x108  }
0x21: {  	s3 =	sadd.s32 s3, s9;
	s6 =	sadd.s32 @!p0 $0x88, s6;
	s7 =	simm.s32 @p2 $0x1082  }
0x22: {  	[simem:s7], [sflag:s8] =	dma.local @!p0 [hbm:s6], $0xF7A  }
0x23: {  	s9 =	sor.u32 $0xD0000000, s2;
	s6 =	simm.s32 $0x108;
	_ =	swait.ge @!p0 [sflag:s8], $0x0  }
0x24: {  	s3 =	sadd.s32 $0x88, s3;
	s6 =	simm.s32 @!p1 $0x1082;
	[sflag:s4] =	ssyncset.s32 $0xFFFFF086  }
0x25: {  	[simem:s6], [sflag:s4] =	dma.local [hbm:s3], $0xF7A  }
0x26: {  	[smem:$0x3F98] =	sst s1;
	(tag) =	ssettag s2;
	_ =	strace s9  }
0x27: {  	s1 =	sld [smem:$0x3FA8]  }
0x28: {  	s2 =	sld [smem:$0x3FA9]  }
0x29: {  	s4 =	sld [smem:$0x3FAB]  }
0x2a: {  	p0 =	seq.s32 s5, $0x0;
	s5 =	sld [smem:$0x3FAC]  }
0x2b: {  	s6 =	sld [smem:$0x3FAD]  }
0x2c: {  	s7 =	sld [smem:$0x3FAE]  }
0x2d: {  	s3 =	simm.s32 $0x108;
	s8 =	sld [smem:$0x3FAF]  }
0x2e: {  	s3 =	simm.s32 @!p0 $0x1082;
	s9 =	sld [smem:$0x3FB0]  }
0x2f: {  	lr =	sadd.s32 s0, s3;
	s0 =	sld [smem:$0x3FA7]  }
0x30: {  	s3 =	sld [smem:$0x3FAA]  }
0x31: {  	[smem:$0x3FB3] =	sst s10  }
0x32: {  	s10 =	sld [smem:$0x3FB1];
	_ =	sdelay $0x3  }
0x33: {  	p0 =	seq.s32 s10, $0x1;
	s10 =	sld [smem:$0x3FB3];
	_ =	sdelay $0x3  }
0x34: {  	[smem:$0x3FB3] =	sst s10  }
0x35: {  	s10 =	sld [smem:$0x3FB2];
	_ =	sdelay $0x3  }
0x36: {  	p1 =	seq.s32 s10, $0x1;
	s10 =	sld [smem:$0x3FB3];
	_ =	sdelay $0x3  }
0x37: {  	[smem:$0x3FB3] =	sst s10  }
0x38: {  	s10 =	sld [smem:$0x3FB4]  }
0x39: {  	_ = 	snop;
	(pc) =	sbr.ind lr, $3  }
0x3a: {  	_ = 	snop  }
0x3b: {  	_ = 	snop  }
0x3c: {  	p2 =	seq.s32 s10, $0x1;
	s10 =	sld [smem:$0x3FB3]  }
0x3d: {  	_ =	shalt  }
0x3e: {  	_ =	shalt  }
0x3f: {  	_ =	shalt  }
0x40: {  	_ =	shalt  }
0x41: {  	_ =	shalt  }
0x42: {  	_ =	shalt  }
0x43: {  	_ =	shalt  }
0x44: {  	_ =	shalt  }
0x45: {  	_ =	shalt  }
0x46: {  	_ =	shalt  }
0x47: {  	_ =	shalt  }
0x48: {  	_ =	shalt  }
0x49: {  	_ =	shalt  }
0x4a: {  	_ =	shalt  }
0x4b: {  	_ =	shalt  }
0x4c: {  	_ =	shalt  }
0x4d: {  	_ =	shalt  }
0x4e: {  	_ =	shalt  }
0x4f: {  	_ =	shalt  }
0x50: {  	_ =	shalt  }
0x51: {  	_ =	shalt  }
0x52: {  	_ =	shalt  }
0x53: {  	_ =	shalt  }
0x54: {  	_ =	shalt  }
0x55: {  	_ =	shalt  }
0x56: {  	_ =	shalt  }
0x57: {  	_ =	shalt  }
0x58: {  	_ =	shalt  }
0x59: {  	_ =	shalt  }
0x5a: {  	_ =	shalt  }
0x5b: {  	_ =	shalt  }
0x5c: {  	_ =	shalt  }
0x5d: {  	_ =	shalt  }
0x5e: {  	_ =	shalt  }
0x5f: {  	_ =	shalt  }
0x60: {  	_ =	shalt  }
0x61: {  	_ =	shalt  }
0x62: {  	_ =	shalt  }
0x63: {  	_ =	shalt  }
0x64: {  	_ =	shalt  }
0x65: {  	_ =	shalt  }
0x66: {  	_ =	shalt  }
0x67: {  	_ =	shalt  }
0x68: {  	_ =	shalt  }
0x69: {  	_ =	shalt  }
0x6a: {  	_ =	shalt  }
0x6b: {  	_ =	shalt  }
0x6c: {  	_ =	shalt  }
0x6d: {  	_ =	shalt  }
0x6e: {  	_ =	shalt  }
0x6f: {  	_ =	shalt  }
0x70: {  	_ =	shalt  }
0x71: {  	_ =	shalt  }
0x72: {  	_ =	shalt  }
0x73: {  	_ =	shalt  }
0x74: {  	_ =	shalt  }
0x75: {  	_ =	shalt  }
0x76: {  	_ =	shalt  }
0x77: {  	_ =	shalt  }
0x78: {  	_ =	shalt  }
0x79: {  	_ =	shalt  }
0x7a: {  	_ =	shalt  }
0x7b: {  	_ =	shalt  }
0x7c: {  	_ =	shalt  }
0x7d: {  	_ =	shalt  }
0x7e: {  	_ =	shalt  }
0x7f: {  	_ =	shalt  }
0x80: {  	_ =	shalt  }
0x81: {  	_ =	shalt  }
0x82: {  	_ =	shalt  }
0x83: {  	_ =	shalt  }
0x84: {  	_ =	shalt  }
0x85: {  	_ =	shalt  }
0x86: {  	_ =	shalt  }
0x87: {  	_ =	shalt  }
.Lfunc_end0:
.L_simem_size_0:
called_computation_lowered:
.L_overlay_start_0:
0x88: {  	s2 =	sld [smem:$0x3FD9]  }
0x89: {  	s3 =	sld [smem:$0x3FFE];
	_ =	sdelay $0x1  }
0x8a: {  	s1 =	srdreg.scid  }
0x8b: {  	s0 =	sand.u32 $0x1, s1  }
0x8c: {  	s17 =	sshll.u32 s0, $0xA;
	s2 =	sadd.s32 s3, s2  }
0x8d: {  	s2 =	sadd.s32 s2, s17  }
0x8e: {  	[smem:$0x3FBF] =	sst s2  }
0x8f: {  	_ = 	snop  }
0x90: {  	s2 =	sld [smem:$0x3FC9]  }
0x91: {  	s18 =	sld [smem:$0x3FD0];
	(tm) =	ssettm $0x1  }
0x92: {  	s4 =	sld [smem:$0x3FFB];
	_ =	sdelay $0x3  }
0x93: {  	_ =	strace s4  }
0x94: {  	s4 =	sld [smem:$0x3FFC];
	_ =	sdelay $0x3  }
0x95: {  	_ =	strace s4  }
0x96: {  	s4 =	sld [smem:$0x3FFD];
	_ =	sdelay $0x3  }
0x97: {  	_ =	strace s4  }
0x98: {  	_ =	strace $0x8FFFFFFF  }
0x99: {  	s19 =	sld [smem:$0x3FDB];
	_ =	sdelay $0x1  }
0x9a: {  	s5 =	simm.s32 $_scs_section_size  }
0x9b: {  	s6 =	simm.s32 $_size__tile_overlayer_lowered;
	s7 =	simm.s32 $_tile_overlayer_lowered  }
0x9c: {  	s22 =	simm.s32 $0x1BFF;
	s21 =	sshll.u32 s7, $0x1;
	s4 =	sadd.s32 s5, s19  }
0x9d: {  	s8 =	simm.s32 $0x0;
	s20 =	sshll.u32 s6, $0x1;
	s6 =	sadd.s32 s21, s4  }
0x9e: {  	[timem:s8], [sflag:s22] =	dma.local [hbm:s6], s20  }
0x9f: {  	_ =	swait.ge [sflag:s22], s20  }
0xa0: {  	s5 =	ssub.s32 $0x0, s20;
	[sflag:s22] =	ssyncset.done $0x0  }
0xa1: {  	[sflag:s22] =	ssyncadd.s32 s5;
	_ =	sdelay $0x1  }
0xa2: {  	s23 =	simm.s32 $0x1B8B  }
0xa3: {  	_ =	swait.ge [sflag:s23], $0x1  }
0xa4: {  	[sflag:s23] =	ssyncset.done $0x0  }
0xa5: {  	s25 =	simm.s32 $0x1B8E;
	s24 =	sld [smem:$0x3FFE];
	[sflag:s23] =	ssyncadd.s32 $0xFFFFFFFF  }
0xa6: {  	s26 =	simm.s32 $execute0_lowered;
	[smem:$0x3FD2] =	sst s25  }
0xa7: {  	s6 =	sshll.u32 s26, $0x1;
	_ =	strace $0x80000046;
	[dreg:$0x1] =	wrdreg $0xFFFFFFFF  }
0xa8: {  	s28 =	simm.s32 $_size_execute0_lowered;
	s4 =	sadd.s32 s4, s6;
	[dreg:$0x0] =	wrdreg $0x0  }
0xa9: {  	s6 =	sshll.u32 s28, $0x1;
	[dreg:$0x2] =	wrdreg s4  }
0xaa: {  	[dreg:$0x3] =	wrdreg s6  }
0xab: {  	[dreg:$0x4] =	wrdreg $0xC0  }
0xac: {  	_ =	task [dreg:s8], $0x5FFFF  }
0xad: {  	[dreg:$0x1] =	wrdreg $0xFFFFFFFF  }
0xae: {  	[dreg:$0x0] =	wrdreg $0x60  }
0xaf: {  	[dreg:$0x2] =	wrdreg s2  }
0xb0: {  	[dreg:$0x3] =	wrdreg s18  }
0xb1: {  	[dreg:$0x4] =	wrdreg s24  }
0xb2: {  	[dreg:$0x5] =	wrdreg $0x9  }
0xb3: {  	_ =	task.clear_ibuf [dreg:s8], $0x6FFFF;
	_ =	strace $0x90000046  }
0xb4: {  	s29 =	simm.s32 $0x9;
	_ =	strace $0x80000048  }
0xb5: {  	_ =	swait.ge [sflag:s29], $0x1  }
0xb6: {  	[sflag:s29] =	ssyncadd.s32 $0xFFFFFFFF  }
0xb7: {  	_ =	strace $0x90000048  }
0xb8: {  	_ =	sfence  }
0xb9: {  	s30 =	sld [smem:$0x0];
	_ =	sdelay $0x2  }
0xba: {  	s31 =	sshll.u32 s1, $0xD;
	s1 =	sshrl.u32 s1, $0x2  }
0xbb: {  	s3 =	sand.u32 $0x4000, s31;
	s1 =	sadd.s32 s1, s30  }
0xbc: {  	s0 =	sor.u32 s3, s0;
	s1 =	sshll.u32 s1, $0x11  }
0xbd: {  	s0 =	sor.u32 s1, s0  }
0xbe: {  	s0 =	sadd.s32 $0x8F2B, s0  }
0xbf: {  	[sflag:s0] =	ssyncadd.remote.s32 $0x1  }
0xc0: {  	_ =	sfence.sel $0xFFFF  }
0xc1: {  	[dreg:$0x0] =	wrdreg $0xFFFFFFFF;
	(pc) =	sbr.abs _section_cstart, $3  }
0xc2: {  	[dreg:$0x1] =	wrdreg $0xFFFFFFFF  }
0xc3: {  	_ =	task.clear_ibuf [dreg:s8], $0x2FFFF;
	_ =	strace $0x9FFFFFFF  }
0xc4: {  	(tm) =	ssettm $0x7FFFFFFF  }
0xc5: {  	_ =	shalt  }
tec
execute0_lowered:
.L_overlay_start_1:
0x0: {  	(tag) =	ssettag $0x1  }
0x1: {  	s1 =	rddreg [dreg:$0x0];
	s2 =	srdreg.scid  }
0x2: {  	s0 =	stileid.u32;
	s6 =	rddreg [dreg:$0x1]  }
0x3: {  	s7 =	rddreg [dreg:$0x2];
	s3 =	simm.s32 $0x0;
	s12 =	simm.s32 $0x3  }
0x4: {  	s13 =	simm.s32 $0x50;
	s14 =	simm.s32 $0x2780;
	s15 =	simm.s32 $0x4F80  }
0x5: {  	s16 =	simm.s32 $0xA0;
	s17 =	simm.s32 $0x7780;
	s18 =	simm.s32 $0xF0  }
0x6: {  	s19 =	simm.s32 $0x9F80;
	s5 =	sand.u32 $0x1, s2;
	s31 =	sshll.u32 s0, $0x1  }
0x7: {  	s20 =	simm.s32 $0x140;
	s21 =	simm.s32 $0xC780;
	s4 =	sor.u32 s5, s31  }
0x8: {  	s22 =	simm.s32 $0x1;
	s23 =	simm.s32 $0x2;
	s4 =	smul.u32 $0x2710, s4  }
.Ltmp0:
0x9: {  	[smem:$0x7FF] =	sst s3;
	s8 =	ssub.s32 $0x2, s5;
	(pc) =	sbr.rel .LBB2_1-.Ltmp0, $4  }
0xa: {  	s24 =	simm.s32 $0x0;
	_ =	strace $0x80000047;
	s9 =	sshrl.u32 s8, $0x1  }
0xb: {  	s5 =	sadd.s32 $0x1A00, s7;
	s11 =	ssub.s32 s8, s9;
	s10 =	sshrl.u32 s4, $0x3  }
0xc: {  	s7 =	sadd.s32 $0x50, s4;
	s8 =	sadd.s32 $0xA0, s4;
	s9 =	sadd.s32 $0xF0, s4  }
0xd: {  	s11 =	smax.u32 s11, $0x1;
	s6 =	sadd.s32 s6, s10;
	s10 =	sadd.s32 $0x140, s4  }
.LBB2_5:
0xe: {  	_ =	swait.ge [sflag:s23], $0x2800  }
0xf: {  	[sflag:s23] =	ssyncset.done $0x0  }
0x10: {  	[sflag:s23] =	ssyncadd.s32 $0xFFFFD800  }
0x11: {  	_ =	swait.ge [sflag:s23], $0x2800  }
0x12: {  	[sflag:s23] =	ssyncset.done $0x0  }
0x13: {  	[sflag:s23] =	ssyncadd.s32 $0xFFFFD800  }
0x14: {  	_ =	swait.ge [sflag:s23], $0x2800  }
0x15: {  	[sflag:s23] =	ssyncset.done $0x0  }
0x16: {  	s24 =	sadd.s32 $0x1, s24;
	[sflag:s23] =	ssyncadd.s32 $0xFFFFD800  }
0x17: {  	p0 =	sne.s32 s24, s11;
	_ =	swait.ge [sflag:s23], $0x2800  }
.Ltmp1:
0x18: {  	[sflag:s23] =	ssyncset.done $0x0;
	(pc) =	sbr.rel @!p0 .LBB2_6-.Ltmp1, $4  }
0x19: {  	[sflag:s23] =	ssyncadd.s32 $0xFFFFD800  }
0x1a: {  	_ =	swait.ge [sflag:s23], $0x2800  }
0x1b: {  	[sflag:s23] =	ssyncset.done $0x0  }
0x1c: {  	[sflag:s23] =	ssyncadd.s32 $0xFFFFD800  }
.LBB2_1:
0x1d: {  	[tilespmem:s3], [sflag:$0x3] =	stream.linear.gather [hbm4b:s6+s3], $0x2710, $0x38;
	[tilespmem:$0x1B780] =	vst v63  }
0x1e: {  	_ =	swait.ge [sflag:s12], $0x2710  }
0x1f: {  	[sflag:s12] =	ssyncset.done $0x0  }
0x20: {  	[sflag:s12] =	ssyncadd.s32 $0xFFFFD8F0  }
0x21: {  	[tilespmem:s14], [sflag:$0x1] =	stream.indirect.gather [hbm4b:s1+s13], $0x80, s3, s13, $0xb8;
	[tilespmem:$0x1B780] =	vst v63  }
0x22: {  	_ = 	snop  }
0x23: {  	[tilespmem:s15], [sflag:$0x1] =	stream.indirect.gather [hbm4b:s1+s13], $0x80, s13, s13, $0xb8;
	[tilespmem:$0x1B780] =	vst v63  }
0x24: {  	_ = 	snop  }
0x25: {  	[tilespmem:s17], [sflag:$0x1] =	stream.indirect.gather [hbm4b:s1+s13], $0x80, s16, s13, $0xb8;
	[tilespmem:$0x1B780] =	vst v63  }
.Ltmp2:
0x26: {  	_ = 	snop;
	(pc) =	sbr.rel .LBB2_2-.Ltmp2, $4  }
0x27: {  	_ = 	snop  }
0x28: {  	[tilespmem:s19], [sflag:$0x1] =	stream.indirect.gather [hbm4b:s1+s13], $0x80, s18, s13, $0xb8;
	[tilespmem:$0x1B780] =	vst v63  }
0x29: {  	s25 =	simm.s32 $0x0  }
0x2a: {  	[tilespmem:s21], [sflag:$0x1] =	stream.indirect.gather [hbm4b:s1+s13], $0x80, s20, s13, $0xb8;
	[tilespmem:$0x1B780] =	vst v63  }
.LBB2_4:
0x2b: {  	s2 =	smul.u32 $0x190, s25  }
0x2c: {  	s31 =	smul.u32 $0x32000, s28  }
0x2d: {  	s29 =	sadd.s32 s4, s2  }
0x2e: {  	s25 =	sshrl.u32 s31, $0x2;
	s28 =	sshll.u32 s29, $0x4  }
0x2f: {  	s30 =	sadd.s32 s2, s7;
	s29 =	sadd.s32 $0x2780, s25;
	s28 =	sadd.s32 s5, s28  }
0x30: {  	[hbm4b:s28+s3] =	stream.linear.scatter [tilespmem:s29], [sflag:$0x2], $0x2800, $0x38;
	[tilespmem:$0x1B780] =	vst v63  }
0x31: {  	s28 =	sshll.u32 s30, $0x4  }
0x32: {  	s31 =	sadd.s32 $0x4F80, s25;
	s30 =	sadd.s32 s2, s8;
	s28 =	sadd.s32 s5, s28  }
0x33: {  	[hbm4b:s28+s3] =	stream.linear.scatter [tilespmem:s31], [sflag:$0x2], $0x2800, $0x38;
	[tilespmem:$0x1B780] =	vst v63  }
0x34: {  	s28 =	sshll.u32 s30, $0x4;
	s31 =	sadd.s32 $0x7780, s25  }
0x35: {  	s30 =	sadd.s32 s2, s9;
	s2 =	sadd.s32 s2, s10;
	s28 =	sadd.s32 s5, s28  }
0x36: {  	[hbm4b:s28+s3] =	stream.linear.scatter [tilespmem:s31], [sflag:$0x2], $0x2800, $0x38;
	[tilespmem:$0x1B780] =	vst v63  }
0x37: {  	p0 =	slt.u32 s26, $0x19;
	s2 =	sshll.u32 s2, $0x4;
	s28 =	sshll.u32 s30, $0x4  }
.Ltmp3:
0x38: {  	s31 =	sadd.s32 $0x9F80, s25;
	s28 =	sadd.s32 s5, s28;
	(pc) =	sbr.rel @!p0 .LBB2_5-.Ltmp3, $4  }
0x39: {  	[hbm4b:s28+s3] =	stream.linear.scatter [tilespmem:s31], [sflag:$0x2], $0x2800, $0x38;
	[tilespmem:$0x1B780] =	vst v63  }
0x3a: {  	s25 =	sadd.s32 $0xC780, s25;
	s2 =	sadd.s32 s5, s2  }
0x3b: {  	[hbm4b:s2+s3] =	stream.linear.scatter [tilespmem:s25], [sflag:$0x2], $0x2800, $0x38;
	[tilespmem:$0x1B780] =	vst v63  }
0x3c: {  	s25 =	smov.u32 s26  }
.LBB2_2:
0x3d: {  	_ =	swait.ge [sflag:s22], $0x2800  }
0x3e: {  	[sflag:s22] =	ssyncset.done $0x0  }
0x3f: {  	[sflag:s22] =	ssyncadd.s32 $0xFFFFD800  }
0x40: {  	_ =	swait.ge [sflag:s22], $0x2800  }
0x41: {  	[sflag:s22] =	ssyncset.done $0x0  }
0x42: {  	[sflag:s22] =	ssyncadd.s32 $0xFFFFD800  }
0x43: {  	_ =	swait.ge [sflag:s22], $0x2800  }
0x44: {  	[sflag:s22] =	ssyncset.done $0x0  }
0x45: {  	[sflag:s22] =	ssyncadd.s32 $0xFFFFD800  }
0x46: {  	_ =	swait.ge [sflag:s22], $0x2800  }
0x47: {  	[sflag:s22] =	ssyncset.done $0x0  }
0x48: {  	[sflag:s22] =	ssyncadd.s32 $0xFFFFD800  }
0x49: {  	_ =	swait.ge [sflag:s22], $0x2800  }
0x4a: {  	p0 =	seq.s32 s25, $0x0;
	[sflag:s22] =	ssyncset.done $0x0  }
0x4b: {  	s26 =	simm.s32 @!p0 $0x2;
	[sflag:s22] =	ssyncadd.s32 $0xFFFFD800  }
0x4c: {  	_ =	swait.ge @!p0 [sflag:s26], $0x2800  }
0x4d: {  	[sflag:s26] =	ssyncset.done @!p0 $0x0  }
0x4e: {  	[sflag:s26] =	ssyncadd.s32 @!p0 $0xFFFFD800  }
0x4f: {  	_ =	swait.ge @!p0 [sflag:s26], $0x2800  }
0x50: {  	[sflag:s26] =	ssyncset.done @!p0 $0x0  }
0x51: {  	[sflag:s26] =	ssyncadd.s32 @!p0 $0xFFFFD800  }
0x52: {  	_ =	swait.ge @!p0 [sflag:s26], $0x2800  }
0x53: {  	[sflag:s26] =	ssyncset.done @!p0 $0x0  }
0x54: {  	p1 =	seq.s32 @!p0 s25, $0x18;
	[sflag:s26] =	ssyncadd.s32 @!p0 $0xFFFFD800  }
0x55: {  	p1 =	por p0, !p1;
	_ =	swait.ge @!p0 [sflag:s26], $0x2800  }
.Ltmp4:
0x56: {  	[sflag:s26] =	ssyncset.done @!p0 $0x0;
	(pc) =	sbr.rel @!p1 .LBB2_4-.Ltmp4, $4  }
0x57: {  	[sflag:s26] =	ssyncadd.s32 @!p0 $0xFFFFD800  }
0x58: {  	_ =	swait.ge @!p0 [sflag:s26], $0x2800  }
0x59: {  	[sflag:s26] =	ssyncset.done @!p0 $0x0  }
0x5a: {  	s28 =	sand.u32 $0x1, s25;
	[sflag:s26] =	ssyncadd.s32 @!p0 $0xFFFFD800;
	s26 =	simm.s32 @!p0 $0x19  }
0x5b: {  	s29 =	sxor.u32 $0x1, s28;
	s26 =	sadd.s32 @!p0 $0x1, s25  }
0x5c: {  	s26 =	simm.s32 @p0 $0x1;
	s29 =	smul.u32 $0x32000, s29  }
0x5d: {  	s30 =	smul.u32 $0x640, s26  }
0x5e: {  	s29 =	sshrl.u32 s29, $0x2  }
0x5f: {  	s31 =	sadd.s32 $0x2780, s29;
	s30 =	sshra.s32 s30, $0x2  }
0x60: {  	[tilespmem:s31], [sflag:$0x1] =	stream.indirect.gather [hbm4b:s1+s13], $0x80, s30, s13, $0xb8;
	[tilespmem:$0x1B780] =	vst v63  }
0x61: {  	s31 =	sadd.s32 $0x4F80, s29;
	s2 =	sadd.s32 $0x50, s30  }
0x62: {  	[tilespmem:s31], [sflag:$0x1] =	stream.indirect.gather [hbm4b:s1+s13], $0x80, s2, s13, $0xb8;
	[tilespmem:$0x1B780] =	vst v63  }
0x63: {  	s2 =	sadd.s32 $0x7780, s29;
	s31 =	sadd.s32 $0xA0, s30  }
0x64: {  	[tilespmem:s2], [sflag:$0x1] =	stream.indirect.gather [hbm4b:s1+s13], $0x80, s31, s13, $0xb8;
	[tilespmem:$0x1B780] =	vst v63  }
.Ltmp5:
0x65: {  	_ = 	snop;
	(pc) =	sbr.rel .LBB2_4-.Ltmp5, $4  }
0x66: {  	s2 =	sadd.s32 $0x9F80, s29;
	s31 =	sadd.s32 $0xF0, s30  }
0x67: {  	[tilespmem:s2], [sflag:$0x1] =	stream.indirect.gather [hbm4b:s1+s13], $0x80, s31, s13, $0xb8;
	[tilespmem:$0x1B780] =	vst v63  }
0x68: {  	s2 =	sadd.s32 $0xC780, s29;
	s31 =	sadd.s32 $0x140, s30  }
0x69: {  	[tilespmem:s2], [sflag:$0x1] =	stream.indirect.gather [hbm4b:s1+s13], $0x80, s31, s13, $0xb8;
	[tilespmem:$0x1B780] =	vst v63  }
.LBB2_6:
0x6a: {  	_ =	sfence.sel $0x180000  }
0x6b: {  	[bflag:$0x0] =	sbarrier.arrive $0xFFFF  }
0x6c: {  	_ =	strace $0x90000047  }
0x6d: {  	[bflag:$0x2] =	sbarrier.arrive $0xFFFF  }
0x6e: {  	p0 =	sne.s32 s0, $0x0;
	s0 =	rddreg [dreg:$0x3]  }
0x6f: {  	s0 =	sadd.s32 @!p0 $0x100000, s0  }
0x70: {  	[sflag:s0] =	ssyncadd.tile.s32 @!p0 $0x1;
	_ =	shalt  }
.Lfunc_end2:
_tile_overlayer_lowered:
.L_overlay_start_2:
0x71: {  	(tag) =	ssettag $0x2  }
0x72: {  	s0 =	rddreg [dreg:$0x0];
	s2 =	stileid.u32  }
0x73: {  	s1 =	rddreg [dreg:$0x1];
	p0 =	sne.s32 s2, $0x0  }
0x74: {  	s3 =	rddreg [dreg:$0x2];
	[bflag:$0x3] =	sbarrier.arrive $0xFFFF;
	s2 =	simm.s32 @!p0 $0x1C03  }
0x75: {  	[timem:s3], [sflag:s2] =	dma.local @!p0 [hbm:s0], s1  }
0x76: {  	s0 =	simm.s32 @!p0 $0x3  }
0x77: {  	_ =	swait.ge @!p0 [sflag:s0], s1  }
0x78: {  	s1 =	ssub.s32 @!p0 $0x0, s1;
	[sflag:s0] =	ssyncset.done @!p0 $0x0  }
0x79: {  	[sflag:s0] =	ssyncadd.s32 @!p0 s1  }
0x7a: {  	[bflag:$0x3] =	sbarrier.arrive $0xFFFF  }
0x7b: {  	_ =	shalt  }

</sc_bundles>
